<compile_context>
chip_gen: v7x
topology: tpu7x:2x2x1
jax: 0.10.2.dev20260603
libtpu: 0.0.44.dev20260713+nightly
codegen_flags: <defaults>
</compile_context>

<pallas_src>
import functools

import jax
import jax.numpy as jnp
import numpy as np
from jax import lax
from jax.experimental import pallas as pl
from jax.experimental.pallas import tpu as pltpu
from jax.experimental.pallas import tpu_sc as plsc

D_MODEL = 1024
MAX_LEN = 32768
SEG_DIM = 64
LANES = 16



def _sc_body(S, B, bnd_hbm, orig_hbm, ctab_hbm,
             start_hbm, end_hbm, fsum_hbm, bsum_hbm, cg_hbm,
             bnd_v, res_v, sum_v, idx_v, rows_v, sem):
    HALF = S // 2
    n_chunks = HALF // LANES
    cid = lax.axis_index("c")
    sid = lax.axis_index("s")
    wid = sid * 2 + cid
    dirn = wid // 16
    task = wid % 16
    row = task // 2
    half = task % 2
    base = half * HALF

    GW = (B * S) // 32
    wpr = S // GW
    gb = wid // wpr
    gs0 = (wid % wpr) * GW
    GC = 128
    NCH = GW // GC
    handles = []
    for c in range(NCH):
        off = gs0 + c * GC
        pltpu.sync_copy(orig_hbm.at[gb, pl.ds(off, GC)], idx_v.at[c])
        handles.append(pltpu.async_copy(ctab_hbm.at[idx_v.at[c]],
                                        rows_v.at[c], sem))

    pltpu.sync_copy(bnd_hbm.at[row, pl.ds(base, HALF)], bnd_v.at[pl.ds(0, HALF)])

    @pl.when(dirn == 0)
    def _fwd():
        def fbody(l, carry):
            idx = lax.iota(jnp.int32, LANES) + (base + l * LANES)
            b = bnd_v[pl.ds(l * LANES, LANES)]
            flag = (b != 0) | (idx == 0)
            v = jnp.where(flag, idx, -1)
            st = jnp.maximum(plsc.cummax(v), carry)
            res_v[pl.ds(l * LANES, LANES)] = st
            return jnp.max(st)

        fc = lax.fori_loop(0, n_chunks, fbody, jnp.int32(-1))
        pltpu.sync_copy(res_v, start_hbm.at[row, 0, pl.ds(base, HALF)])

        @pl.when(half == 0)
        def _():
            sum_v[...] = jnp.full((LANES,), fc, jnp.int32)
            pltpu.sync_copy(sum_v, fsum_hbm.at[row])

    @pl.when(dirn == 1)
    def _bwd():
        bnd_v[pl.ds(HALF, LANES)] = jnp.zeros((LANES,), jnp.int32)

        def bbody(k, carry):
            l = n_chunks - 1 - k
            off = l * LANES + 1
            u = bnd_v[pl.ds(off, LANES)]
            idx2 = lax.iota(jnp.int32, LANES) + (base + off)
            m = jnp.where(u != 0, idx2, S)
            r = lax.rev(m, (0,))
            ipm = -plsc.cummax(-r)
            esm = lax.rev(ipm, (0,))
            e = jnp.minimum(esm, carry)
            res_v[pl.ds(l * LANES, LANES)] = e
            return jnp.minimum(jnp.min(m), carry)

        bc = lax.fori_loop(0, n_chunks, bbody, jnp.int32(S))
        pltpu.sync_copy(res_v, end_hbm.at[row, 0, pl.ds(base, HALF)])

        @pl.when(half == 1)
        def _():
            b0 = bnd_v[pl.ds(0, LANES)]
            li = lax.iota(jnp.int32, LANES)
            m0 = jnp.where((li == 0) & (b0 != 0), jnp.int32(base), S)
            bs = jnp.minimum(bc, jnp.min(m0))
            sum_v[...] = jnp.full((LANES,), bs, jnp.int32)
            pltpu.sync_copy(sum_v, bsum_hbm.at[row])

    for c in range(NCH):
        handles[c].wait()
        pltpu.sync_copy(rows_v.at[c], cg_hbm.at[gb, pl.ds(gs0 + c * GC, GC)])


def _sc_segments(bnd, orig, ctab):
    B, S = bnd.shape
    HALF = S // 2
    mesh = plsc.VectorSubcoreMesh(core_axis_name="c", subcore_axis_name="s")
    return pl.kernel(
        functools.partial(_sc_body, S, B),
        out_type=[
            jax.ShapeDtypeStruct((B, 1, S), jnp.int32),
            jax.ShapeDtypeStruct((B, 1, S), jnp.int32),
            jax.ShapeDtypeStruct((B, LANES), jnp.int32),
            jax.ShapeDtypeStruct((B, LANES), jnp.int32),
            jax.ShapeDtypeStruct((B, S, 128), jnp.float32),
        ],
        mesh=mesh,
        compiler_params=pltpu.CompilerParams(needs_layout_passes=False,
                                             use_tc_tiling_on_sc=True),
        scratch_types=[
            pltpu.VMEM((HALF + LANES,), jnp.int32),
            pltpu.VMEM((HALF,), jnp.int32),
            pltpu.VMEM((LANES,), jnp.int32),
            pltpu.VMEM((4, 128), jnp.int32),
            pltpu.VMEM((4, 128, 128), jnp.float32),
            pltpu.SemaphoreType.DMA,
        ],
    )(bnd, orig, ctab)



def _assemble_body(S, S_blk, base_pe_ref, wproj_ref, wseg_ref, bseg_ref,
                   bproj_ref, ss_ref, se_ref, op_ref, cg_ref, mfb_ref, pm_ref,
                   fs_ref, bs_ref, out_ref, shared_sc, wc_sc):
    i = pl.program_id(0)
    j = pl.program_id(1)
    HALF = S // 2

    @pl.when(j == 0)
    def _():
        W1 = wproj_ref[:, :D_MODEL]
        W2 = wproj_ref[:, D_MODEL:]
        sh0 = lax.dot_general(base_pe_ref[...], W1, (((1,), (1,)), ((), ())),
                              preferred_element_type=jnp.float32)
        sb = lax.dot_general(bseg_ref[...], W2, (((1,), (1,)), ((), ())),
                             preferred_element_type=jnp.float32)
        shared_sc[...] = sh0 + bproj_ref[...] + sb

    @pl.when((i == 0) & (j == 0))
    def _():
        W2 = wproj_ref[:, D_MODEL:]
        wc_sc[...] = lax.dot_general(wseg_ref[...], W2, (((0,), (1,)), ((), ())),
                                     preferred_element_type=jnp.float32)

    sh = shared_sc[...]
    s_loc = ss_ref[0]
    e_loc = se_ref[0]
    pos_row = op_ref[0]
    fs = jnp.max(fs_ref[0])
    bs = jnp.min(bs_ref[0])
    first = i < (HALF // S_blk)
    s = jnp.maximum(s_loc, jnp.where(first, -1, fs))
    e = jnp.minimum(e_loc, jnp.where(first, bs, S))
    tok = lax.broadcasted_iota(jnp.int32, (1, S_blk), 1) + i * S_blk
    ln = (e - s).astype(jnp.float32)
    pos_in = (tok - s).astype(jnp.float32) / jnp.maximum(ln - 1.0, 1.0)
    len_norm = ln * (1.0 / float(S))
    gpos = pos_row.astype(jnp.float32) * (1.0 / float(MAX_LEN))
    fT = jnp.concatenate([pos_in, len_norm, gpos], axis=0)
    seg_add = lax.dot_general(fT, wc_sc[...], (((0,), (0,)), ((), ())),
                              preferred_element_type=jnp.float32)
    r = sh + seg_add
    posf_row = op_ref[0].astype(jnp.float32)
    motif_t = jnp.sin(mfb_ref[...] * posf_row)
    mg_add = lax.dot_general(motif_t, pm_ref[...], (((0,), (0,)), ((), ())),
                             preferred_element_type=jnp.float32)
    full = jnp.concatenate([
        r[:, 0:128] + cg_ref[0],
        r[:, 128:896],
        r[:, 896:1024] + mg_add,
    ], axis=1)
    out_ref[...] = full[None]


def _assemble_call(base_pe, W_proj, W_seg, b_seg2, b_proj2,
                   ss2, se2, op2, cg, mf, pmat, fsum3, bsum3):
    B = ss2.shape[0]
    S = base_pe.shape[0]
    S_blk = 1024
    n_s = S // S_blk
    mfb = jnp.broadcast_to(mf[:, None], (16, S_blk))
    row_spec = pl.BlockSpec((1, 1, S_blk), lambda i, j: (j, 0, i))
    return pl.pallas_call(
        functools.partial(_assemble_body, S, S_blk),
        grid=(n_s, B),
        in_specs=[
            pl.BlockSpec((S_blk, D_MODEL), lambda i, j: (i, 0)),
            pl.BlockSpec((D_MODEL, D_MODEL + SEG_DIM), lambda i, j: (0, 0)),
            pl.BlockSpec((SEG_DIM, 3), lambda i, j: (0, 0)),
            pl.BlockSpec((1, SEG_DIM), lambda i, j: (0, 0)),
            pl.BlockSpec((1, D_MODEL), lambda i, j: (0, 0)),
            row_spec, row_spec, row_spec,
            pl.BlockSpec((1, S_blk, 128), lambda i, j: (j, i, 0)),
            pl.BlockSpec((16, S_blk), lambda i, j: (0, 0)),
            pl.BlockSpec((16, 128), lambda i, j: (0, 0)),
            pl.BlockSpec((1, 1, LANES), lambda i, j: (j, 0, 0)),
            pl.BlockSpec((1, 1, LANES), lambda i, j: (j, 0, 0)),
        ],
        out_specs=pl.BlockSpec((1, S_blk, D_MODEL), lambda i, j: (j, i, 0)),
        out_shape=jax.ShapeDtypeStruct((B, S, D_MODEL), jnp.float32),
        scratch_shapes=[
            pltpu.VMEM((S_blk, D_MODEL), jnp.float32),
            pltpu.VMEM((3, D_MODEL), jnp.float32),
        ],
    )(base_pe, W_proj, W_seg, b_seg2, b_proj2,
      ss2, se2, op2, cg, mfb, pmat, fsum3, bsum3)



@functools.lru_cache(maxsize=2)
def _base_pe_table(seq_len, d_model):
    pos = np.arange(seq_len, dtype=np.float32)[:, None]
    div = np.exp(np.arange(0, d_model, 2, dtype=np.float32)
                 * (-np.log(10000.0) / d_model)).astype(np.float32)
    pe = np.zeros((seq_len, d_model), dtype=np.float32)
    pe[:, 0::2] = np.sin((pos * div).astype(np.float32))
    pe[:, 1::2] = np.cos((pos * div).astype(np.float32))
    return jnp.asarray(pe)


@functools.lru_cache(maxsize=1)
def _sin_tables():
    cf = np.arange(0, D_MODEL // 4, 2, dtype=np.float32) * (2.0 * np.pi / 3.0)
    cf = cf.astype(np.float32)
    parts = []
    for period in [8, 10, 21, 147]:
        parts.append(np.arange(0, min(D_MODEL // 8, 8), 2, dtype=np.float32)
                     * (2.0 * np.pi / period))
    mf = np.concatenate(parts).astype(np.float32)
    p = np.arange(MAX_LEN, dtype=np.float32)[:, None]
    cargs = (p * cf[None, :]).astype(np.float32)
    ctab = (np.float32(0.1)
            * np.sin(cargs.astype(np.float64)).astype(np.float32))
    ctab = jnp.asarray(ctab)
    pmat = np.zeros((16, 128), dtype=np.float32)
    pmat[np.arange(16), 112 + np.arange(16)] = 0.05
    return ctab, jnp.asarray(mf), jnp.asarray(pmat)



def kernel(seq_len, patch_boundaries, original_positions,
           W_seg, b_seg, W_proj, b_proj):
    B, S = patch_boundaries.shape
    bnd = patch_boundaries.astype(jnp.int32)
    orig = original_positions.astype(jnp.int32)

    ctab, mf, pmat = _sin_tables()
    seg_start, seg_end, fsum, bsum, cg = _sc_segments(bnd, orig, ctab)

    base_pe = _base_pe_table(S, D_MODEL)
    out = _assemble_call(
        base_pe, W_proj, W_seg,
        b_seg.reshape(1, SEG_DIM), b_proj.reshape(1, D_MODEL),
        seg_start, seg_end,
        orig.reshape(B, 1, S), cg, mf, pmat,
        fsum.reshape(B, 1, LANES), bsum.reshape(B, 1, LANES))
    return out

# --- scband reference (transcript-rebuilt; emitter-appended) ---
"""Pipeline reference for scband-segment-aware-positional-encoding-70772471104043 (READ-ONLY COPY).

The authoritative reference and input builder live on the scoring server;
editing this copy changes nothing except your own understanding.
"""

import jax, jax.numpy as jnp
import numpy as np

D_MODEL = 1024
MAX_LEN = 32768
SEG_DIM = 64


def _sinusoidal_pe(seq_len, d_model):
    pos = jnp.arange(seq_len, dtype=jnp.float32)[:, None]
    div = jnp.exp(jnp.arange(0, d_model, 2, dtype=jnp.float32) * (-np.log(10000.0) / d_model))
    pe = jnp.zeros((seq_len, d_model), dtype=jnp.float32)
    pe = pe.at[:, 0::2].set(jnp.sin(pos * div))
    pe = pe.at[:, 1::2].set(jnp.cos(pos * div))
    return pe


def _codon_freqs():
    return jnp.arange(0, D_MODEL // 4, 2, dtype=jnp.float32) * (2.0 * np.pi / 3.0)


def _motif_freqs():
    parts = []
    for period in [8, 10, 21, 147]:
        parts.append(np.arange(0, min(D_MODEL // 8, 8), 2, dtype=np.float32) * (2.0 * np.pi / period))
    return jnp.asarray(np.concatenate(parts))


def _segment_features_row(bnd, orig_pos, seq_len):
    # Vectorized equivalent of the per-batch python loop in the torch module.
    # A position starts a new segment iff it is position 0 or its boundary flag is nonzero
    # (this reproduces prepending 0, appending seq_len, and unique-sorting the boundary indices).
    ar = jnp.arange(seq_len)
    start_flag = (ar == 0) | (bnd != 0)
    seg_id = jnp.cumsum(start_flag.astype(jnp.int32)) - 1
    starts = jnp.where(start_flag, ar, -1)
    seg_start = jax.lax.cummax(starts, axis=0)
    counts = jax.ops.segment_sum(jnp.ones(seq_len, dtype=jnp.float32), seg_id, num_segments=seq_len)
    length = counts[seg_id]
    pos_in = (ar - seg_start).astype(jnp.float32) / jnp.maximum(length - 1.0, 1.0)
    len_norm = length / float(seq_len)
    gpos = orig_pos.astype(jnp.float32) / float(MAX_LEN)
    return jnp.stack([pos_in, len_norm, gpos], axis=-1)


def setup_inputs(seed: int = 0):
    key = jax.random.key(seed)
    k1, k2, k3, k4 = jax.random.split(key, 4)
    B, S = 8, 2048
    patch_boundaries = jax.random.randint(k1, (B, S), 0, 2)
    original_positions = jnp.sort(jax.random.randint(k2, (B, S), 0, MAX_LEN), axis=-1)
    W_seg = jax.random.normal(k3, (SEG_DIM, 3), dtype=jnp.float32) * 0.02
    b_seg = jnp.zeros((SEG_DIM,), dtype=jnp.float32)
    W_proj = jax.random.normal(k4, (D_MODEL, D_MODEL + SEG_DIM), dtype=jnp.float32) * 0.02
    b_proj = jnp.zeros((D_MODEL,), dtype=jnp.float32)
    return {"seq_len": S, "patch_boundaries": patch_boundaries, "original_positions": original_positions,
            "W_seg": W_seg, "b_seg": b_seg, "W_proj": W_proj, "b_proj": b_proj}


def reference(seq_len, patch_boundaries, original_positions, W_seg, b_seg, W_proj, b_proj):
    B = patch_boundaries.shape[0]
    S = patch_boundaries.shape[1]
    base_pe = _sinusoidal_pe(S, D_MODEL)
    feats = jax.vmap(lambda b, o: _segment_features_row(b, o, S))(patch_boundaries, original_positions)
    seg_enc = feats @ W_seg.T + b_seg
    base_b = jnp.broadcast_to(base_pe[None], (B, S, D_MODEL))
    combined = jnp.concatenate([base_b, seg_enc], axis=-1)
    pe = combined @ W_proj.T + b_proj
    # genomic position patterns
    positions = original_positions.astype(jnp.float32)
    cf = _codon_freqs()
    codon_enc = jnp.sin(positions[..., None] * cf[None, None, :])
    cd = min(cf.shape[0], D_MODEL // 4)
    pe = pe.at[:, :, :cd].add(codon_enc[:, :, :cd] * 0.1)
    mf = _motif_freqs()
    motif_enc = jnp.sin(positions[..., None] * mf[None, None, :])
    md = min(mf.shape[0], D_MODEL // 8)
    pe = pe.at[:, :, D_MODEL - md:].add(motif_enc[:, :, :md] * 0.05)
    pe = pe + (jnp.asarray(seq_len, dtype=jnp.float32) - float(S)) * 0.0
    return pe

if __name__ == "__main__":
    import jax
    _d = setup_inputs()
    print(jax.jit(kernel)(*tuple(_d.values())))

</pallas_src>

<mosaic_0001>
#map = affine_map<(d0, d1) -> (0, 0)>
#map1 = affine_map<(d0, d1) -> (0, 0, 0)>
module attributes {stable_mosaic.version = 14 : i64} {
  func.func @_sc_body(%arg0: i32, %arg1: i32, %arg2: memref<8x2048xi32, #tpu.memory_space<hbm>>, %arg3: memref<8x2048xi32, #tpu.memory_space<hbm>>, %arg4: memref<32768x128xf32, #tpu.memory_space<hbm>>, %arg5: memref<8x1x2048xi32, #tpu.memory_space<hbm>>, %arg6: memref<8x1x2048xi32, #tpu.memory_space<hbm>>, %arg7: memref<8x16xi32, #tpu.memory_space<hbm>>, %arg8: memref<8x16xi32, #tpu.memory_space<hbm>>, %arg9: memref<8x2048x128xf32, #tpu.memory_space<hbm>>, %arg10: memref<1040xi32, #tpu.memory_space<vmem>>, %arg11: memref<1024xi32, #tpu.memory_space<vmem>>, %arg12: memref<16xi32, #tpu.memory_space<vmem>>, %arg13: memref<4x128xi32, #tpu.memory_space<vmem>>, %arg14: memref<4x128x128xf32, #tpu.memory_space<vmem>>, %arg15: memref<!tpu.dma_semaphore, #tpu.memory_space<semaphore_mem>>) attributes {dimension_semantics = [#tpu.dimension_semantics<core_parallel>, #tpu.dimension_semantics<subcore_parallel>], iteration_bounds = array<i64: 2, 16>, scalar_prefetch = 0 : i64, scratch_operands = 6 : i64, tpu.core_type = #tpu.core_type<sc_vector_subcore>, window_params = [{transform_indices = #map}, {transform_indices = #map}, {transform_indices = #map}, {transform_indices = #map1}, {transform_indices = #map1}, {transform_indices = #map}, {transform_indices = #map}, {transform_indices = #map1}]} {
    %mul3A = arith.constant 2 : i32
    %mul3A_0 = arith.muli %arg1, %mul3A : i32
    %add3A = arith.addi %mul3A_0, %arg0 : i32
    %jit3A = arith.constant 16 : i32
    %div3A = arith.divsi %add3A, %jit3A : i32
    %sign3A = arith.constant 0 : i32
    %sign3A_1 = arith.cmpi sgt, %add3A, %sign3A : i32
    %sign3A_2 = arith.extui %sign3A_1 : i1 to i32
    %sign3A_3 = arith.constant 0 : i32
    %sign3A_4 = arith.cmpi slt, %add3A, %sign3A_3 : i32
    %sign3A_5 = arith.extui %sign3A_4 : i1 to i32
    %sign3A_6 = arith.subi %sign3A_2, %sign3A_5 : i32
    %sign3A_7 = arith.constant 0 : i32
    %sign3A_8 = arith.cmpi sgt, %jit3A, %sign3A_7 : i32
    %sign3A_9 = arith.extui %sign3A_8 : i1 to i32
    %sign3A_10 = arith.constant 0 : i32
    %sign3A_11 = arith.cmpi slt, %jit3A, %sign3A_10 : i32
    %sign3A_12 = arith.extui %sign3A_11 : i1 to i32
    %sign3A_13 = arith.subi %sign3A_9, %sign3A_12 : i32
    %ne3A = arith.cmpi ne, %sign3A_6, %sign3A_13 : i32
    %rem3A = arith.remsi %add3A, %jit3A : i32
    %ne3A_14 = arith.constant 0 : i32
    %ne3A_15 = arith.cmpi ne, %rem3A, %ne3A_14 : i32
    %and3A = arith.andi %ne3A, %ne3A_15 : i1
    %sub3A = arith.constant 1 : i32
    %sub3A_16 = arith.subi %div3A, %sub3A : i32
    %select_n3A = arith.select %and3A, %sub3A_16, %div3A : i32
    %jit3A_17 = arith.constant 16 : i32
    %eq3A = arith.constant 0 : i32
    %eq3A_18 = arith.cmpi eq, %jit3A_17, %eq3A : i32
    %jit3A_19 = arith.constant 1 : i32
    %select_n3A_20 = arith.select %eq3A_18, %jit3A_19, %jit3A_17 : i32
    %rem3A_21 = arith.remsi %add3A, %select_n3A_20 : i32
    %ne3A_22 = arith.constant 0 : i32
    %ne3A_23 = arith.cmpi ne, %rem3A_21, %ne3A_22 : i32
    %lt3A = arith.constant 0 : i32
    %lt3A_24 = arith.cmpi slt, %rem3A_21, %lt3A : i32
    %lt3A_25 = arith.constant 0 : i32
    %lt3A_26 = arith.cmpi slt, %select_n3A_20, %lt3A_25 : i32
    %ne3A_27 = arith.xori %lt3A_24, %lt3A_26 : i1
    %and3A_28 = arith.andi %ne3A_27, %ne3A_23 : i1
    %add3A_29 = arith.addi %rem3A_21, %select_n3A_20 : i32
    %select_n3A_30 = arith.select %and3A_28, %add3A_29, %rem3A_21 : i32
    %jit3A_31 = arith.constant 2 : i32
    %div3A_32 = arith.divsi %select_n3A_30, %jit3A_31 : i32
    %sign3A_33 = arith.constant 0 : i32
    %sign3A_34 = arith.cmpi sgt, %select_n3A_30, %sign3A_33 : i32
    %sign3A_35 = arith.extui %sign3A_34 : i1 to i32
    %sign3A_36 = arith.constant 0 : i32
    %sign3A_37 = arith.cmpi slt, %select_n3A_30, %sign3A_36 : i32
    %sign3A_38 = arith.extui %sign3A_37 : i1 to i32
    %sign3A_39 = arith.subi %sign3A_35, %sign3A_38 : i32
    %sign3A_40 = arith.constant 0 : i32
    %sign3A_41 = arith.cmpi sgt, %jit3A_31, %sign3A_40 : i32
    %sign3A_42 = arith.extui %sign3A_41 : i1 to i32
    %sign3A_43 = arith.constant 0 : i32
    %sign3A_44 = arith.cmpi slt, %jit3A_31, %sign3A_43 : i32
    %sign3A_45 = arith.extui %sign3A_44 : i1 to i32
    %sign3A_46 = arith.subi %sign3A_42, %sign3A_45 : i32
    %ne3A_47 = arith.cmpi ne, %sign3A_39, %sign3A_46 : i32
    %rem3A_48 = arith.remsi %select_n3A_30, %jit3A_31 : i32
    %ne3A_49 = arith.constant 0 : i32
    %ne3A_50 = arith.cmpi ne, %rem3A_48, %ne3A_49 : i32
    %and3A_51 = arith.andi %ne3A_47, %ne3A_50 : i1
    %sub3A_52 = arith.constant 1 : i32
    %sub3A_53 = arith.subi %div3A_32, %sub3A_52 : i32
    %select_n3A_54 = arith.select %and3A_51, %sub3A_53, %div3A_32 : i32
    %jit3A_55 = arith.constant 2 : i32
    %eq3A_56 = arith.constant 0 : i32
    %eq3A_57 = arith.cmpi eq, %jit3A_55, %eq3A_56 : i32
    %jit3A_58 = arith.constant 1 : i32
    %select_n3A_59 = arith.select %eq3A_57, %jit3A_58, %jit3A_55 : i32
    %rem3A_60 = arith.remsi %select_n3A_30, %select_n3A_59 : i32
    %ne3A_61 = arith.constant 0 : i32
    %ne3A_62 = arith.cmpi ne, %rem3A_60, %ne3A_61 : i32
    %lt3A_63 = arith.constant 0 : i32
    %lt3A_64 = arith.cmpi slt, %rem3A_60, %lt3A_63 : i32
    %lt3A_65 = arith.constant 0 : i32
    %lt3A_66 = arith.cmpi slt, %select_n3A_59, %lt3A_65 : i32
    %ne3A_67 = arith.xori %lt3A_64, %lt3A_66 : i1
    %and3A_68 = arith.andi %ne3A_67, %ne3A_62 : i1
    %add3A_69 = arith.addi %rem3A_60, %select_n3A_59 : i32
    %select_n3A_70 = arith.select %and3A_68, %add3A_69, %rem3A_60 : i32
    %mul3A_71 = arith.constant 1024 : i32
    %mul3A_72 = arith.muli %select_n3A_70, %mul3A_71 : i32
    %jit3A_73 = arith.constant 4 : i32
    %div3A_74 = arith.divsi %add3A, %jit3A_73 : i32
    %sign3A_75 = arith.constant 0 : i32
    %sign3A_76 = arith.cmpi sgt, %add3A, %sign3A_75 : i32
    %sign3A_77 = arith.extui %sign3A_76 : i1 to i32
    %sign3A_78 = arith.constant 0 : i32
    %sign3A_79 = arith.cmpi slt, %add3A, %sign3A_78 : i32
    %sign3A_80 = arith.extui %sign3A_79 : i1 to i32
    %sign3A_81 = arith.subi %sign3A_77, %sign3A_80 : i32
    %sign3A_82 = arith.constant 0 : i32
    %sign3A_83 = arith.cmpi sgt, %jit3A_73, %sign3A_82 : i32
    %sign3A_84 = arith.extui %sign3A_83 : i1 to i32
    %sign3A_85 = arith.constant 0 : i32
    %sign3A_86 = arith.cmpi slt, %jit3A_73, %sign3A_85 : i32
    %sign3A_87 = arith.extui %sign3A_86 : i1 to i32
    %sign3A_88 = arith.subi %sign3A_84, %sign3A_87 : i32
    %ne3A_89 = arith.cmpi ne, %sign3A_81, %sign3A_88 : i32
    %rem3A_90 = arith.remsi %add3A, %jit3A_73 : i32
    %ne3A_91 = arith.constant 0 : i32
    %ne3A_92 = arith.cmpi ne, %rem3A_90, %ne3A_91 : i32
    %and3A_93 = arith.andi %ne3A_89, %ne3A_92 : i1
    %sub3A_94 = arith.constant 1 : i32
    %sub3A_95 = arith.subi %div3A_74, %sub3A_94 : i32
    %select_n3A_96 = arith.select %and3A_93, %sub3A_95, %div3A_74 : i32
    %jit3A_97 = arith.constant 4 : i32
    %eq3A_98 = arith.constant 0 : i32
    %eq3A_99 = arith.cmpi eq, %jit3A_97, %eq3A_98 : i32
    %jit3A_100 = arith.constant 1 : i32
    %select_n3A_101 = arith.select %eq3A_99, %jit3A_100, %jit3A_97 : i32
    %rem3A_102 = arith.remsi %add3A, %select_n3A_101 : i32
    %ne3A_103 = arith.constant 0 : i32
    %ne3A_104 = arith.cmpi ne, %rem3A_102, %ne3A_103 : i32
    %lt3A_105 = arith.constant 0 : i32
    %lt3A_106 = arith.cmpi slt, %rem3A_102, %lt3A_105 : i32
    %lt3A_107 = arith.constant 0 : i32
    %lt3A_108 = arith.cmpi slt, %select_n3A_101, %lt3A_107 : i32
    %ne3A_109 = arith.xori %lt3A_106, %lt3A_108 : i1
    %and3A_110 = arith.andi %ne3A_109, %ne3A_104 : i1
    %add3A_111 = arith.addi %rem3A_102, %select_n3A_101 : i32
    %select_n3A_112 = arith.select %and3A_110, %add3A_111, %rem3A_102 : i32
    %mul3A_113 = arith.constant 512 : i32
    %mul3A_114 = arith.muli %select_n3A_112, %mul3A_113 : i32
    %add3A_115 = arith.constant 0 : i32
    %add3A_116 = arith.addi %mul3A_114, %add3A_115 : i32
    %run_scoped3A = arith.constant 0 : i32
    "tpu.region"() ({
      %run_scoped3A_240 = tpu.sem_alloc : memref<!tpu.dma_semaphore, #tpu.memory_space<semaphore_mem>>
      %dma_start3A_241 = arith.constant 0 : i32
      %dma_start3A_242 = tpu.memref_slice %arg13[%run_scoped3A, %dma_start3A_241] : memref<4x128xi32, #tpu.memory_space<vmem>> -> memref<1x128xi32, #tpu.memory_space<vmem>>
      %dma_start3A_243 = tpu.memref_squeeze %dma_start3A_242 : memref<1x128xi32, #tpu.memory_space<vmem>> -> memref<128xi32, #tpu.memory_space<vmem>>
      %dma_start3A_244 = tpu.memref_slice %arg3[%select_n3A_96, %add3A_116] : memref<8x2048xi32, #tpu.memory_space<hbm>> -> memref<1x128xi32, #tpu.memory_space<hbm>>
      %dma_start3A_245 = tpu.memref_squeeze %dma_start3A_244 : memref<1x128xi32, #tpu.memory_space<hbm>> -> memref<128xi32, #tpu.memory_space<hbm>>
      %dma_start3A_246 = arith.constant 0 : i32
      %dma_start3A_247 = tpu.memref_slice %arg13[%run_scoped3A, %dma_start3A_246] : memref<4x128xi32, #tpu.memory_space<vmem>> -> memref<1x128xi32, #tpu.memory_space<vmem>>
      %dma_start3A_248 = tpu.memref_squeeze %dma_start3A_247 : memref<1x128xi32, #tpu.memory_space<vmem>> -> memref<128xi32, #tpu.memory_space<vmem>>
      %dma_start3A_249 = tpu.memref_slice %arg3[%select_n3A_96, %add3A_116] : memref<8x2048xi32, #tpu.memory_space<hbm>> -> memref<1x128xi32, #tpu.memory_space<hbm>>
      %dma_start3A_250 = tpu.memref_squeeze %dma_start3A_249 : memref<1x128xi32, #tpu.memory_space<hbm>> -> memref<128xi32, #tpu.memory_space<hbm>>
      tpu.enqueue_dma source(%dma_start3A_250 : memref<128xi32, #tpu.memory_space<hbm>>) target(%dma_start3A_248 : memref<128xi32, #tpu.memory_space<vmem>>) target_semaphore(%run_scoped3A_240 : memref<!tpu.dma_semaphore, #tpu.memory_space<semaphore_mem>>)
      %dma_wait3A_251 = arith.constant 0 : i32
      %dma_wait3A_252 = tpu.memref_slice %arg13[%run_scoped3A, %dma_wait3A_251] : memref<4x128xi32, #tpu.memory_space<vmem>> -> memref<1x128xi32, #tpu.memory_space<vmem>>
      %dma_wait3A_253 = tpu.memref_squeeze %dma_wait3A_252 : memref<1x128xi32, #tpu.memory_space<vmem>> -> memref<128xi32, #tpu.memory_space<vmem>>
      %dma_wait3A_254 = tpu.memref_slice %arg3[%select_n3A_96, %add3A_116] : memref<8x2048xi32, #tpu.memory_space<hbm>> -> memref<1x128xi32, #tpu.memory_space<hbm>>
      %dma_wait3A_255 = tpu.memref_squeeze %dma_wait3A_254 : memref<1x128xi32, #tpu.memory_space<hbm>> -> memref<128xi32, #tpu.memory_space<hbm>>
      %dma_wait3A_256 = arith.constant 0 : i32
      %dma_wait3A_257 = tpu.memref_slice %arg13[%run_scoped3A, %dma_wait3A_256] : memref<4x128xi32, #tpu.memory_space<vmem>> -> memref<1x128xi32, #tpu.memory_space<vmem>>
      %dma_wait3A_258 = tpu.memref_squeeze %dma_wait3A_257 : memref<1x128xi32, #tpu.memory_space<vmem>> -> memref<128xi32, #tpu.memory_space<vmem>>
      %dma_wait3A_259 = tpu.memref_slice %arg3[%select_n3A_96, %add3A_116] : memref<8x2048xi32, #tpu.memory_space<hbm>> -> memref<1x128xi32, #tpu.memory_space<hbm>>
      %dma_wait3A_260 = tpu.memref_squeeze %dma_wait3A_259 : memref<1x128xi32, #tpu.memory_space<hbm>> -> memref<128xi32, #tpu.memory_space<hbm>>
      tpu.wait_dma2 semaphore(%run_scoped3A_240 : memref<!tpu.dma_semaphore, #tpu.memory_space<semaphore_mem>>) src(%dma_wait3A_260 : memref<128xi32, #tpu.memory_space<hbm>>) dst(%dma_wait3A_258 : memref<128xi32, #tpu.memory_space<vmem>>)
      tpu.yield
    }) : () -> ()
    %dma_start3A = arith.constant 0 : i32
    %dma_start3A_117 = arith.constant 0 : i32
    %dma_start3A_118 = arith.constant 0 : i32
    %dma_start3A_119 = arith.constant 0 : i32
    %dma_start3A_120 = tpu.memref_slice %arg14[%dma_start3A_117, %dma_start3A_118, %dma_start3A_119] : memref<4x128x128xf32, #tpu.memory_space<vmem>> -> memref<1x128x128xf32, #tpu.memory_space<vmem>>
    %dma_start3A_121 = tpu.memref_squeeze %dma_start3A_120 : memref<1x128x128xf32, #tpu.memory_space<vmem>> -> memref<128x128xf32, #tpu.memory_space<vmem>>
    %dma_start3A_122 = arith.constant 0 : i32
    %dma_start3A_123 = tpu.memref_slice %arg13[%dma_start3A, %dma_start3A_122] : memref<4x128xi32, #tpu.memory_space<vmem>> -> memref<1x128xi32, #tpu.memory_space<vmem>>
    %dma_start3A_124 = tpu.memref_squeeze %dma_start3A_123 : memref<1x128xi32, #tpu.memory_space<vmem>> -> memref<128xi32, #tpu.memory_space<vmem>>
    %dma_start3A_125 = arith.constant 0 : i32
    %dma_start3A_126 = arith.constant 0 : i32
    %dma_start3A_127 = tpu.memref_slice %arg4[%dma_start3A_125, %dma_start3A_126] : memref<32768x128xf32, #tpu.memory_space<hbm>> -> memref<32768x128xf32, #tpu.memory_space<hbm>>
    tpu.enqueue_indirect_dma source(%dma_start3A_127 : memref<32768x128xf32, #tpu.memory_space<hbm>>) target(%dma_start3A_121 : memref<128x128xf32, #tpu.memory_space<vmem>>) offsets(%dma_start3A_124 : memref<128xi32, #tpu.memory_space<vmem>>) semaphore(%arg15 : memref<!tpu.dma_semaphore, #tpu.memory_space<semaphore_mem>>)
    %add3A_128 = arith.constant 128 : i32
    %add3A_129 = arith.addi %mul3A_114, %add3A_128 : i32
    %run_scoped3A_130 = arith.constant 1 : i32
    "tpu.region"() ({
      %run_scoped3A_240 = tpu.sem_alloc : memref<!tpu.dma_semaphore, #tpu.memory_space<semaphore_mem>>
      %dma_start3A_241 = arith.constant 0 : i32
      %dma_start3A_242 = tpu.memref_slice %arg13[%run_scoped3A_130, %dma_start3A_241] : memref<4x128xi32, #tpu.memory_space<vmem>> -> memref<1x128xi32, #tpu.memory_space<vmem>>
      %dma_start3A_243 = tpu.memref_squeeze %dma_start3A_242 : memref<1x128xi32, #tpu.memory_space<vmem>> -> memref<128xi32, #tpu.memory_space<vmem>>
      %dma_start3A_244 = tpu.memref_slice %arg3[%select_n3A_96, %add3A_129] : memref<8x2048xi32, #tpu.memory_space<hbm>> -> memref<1x128xi32, #tpu.memory_space<hbm>>
      %dma_start3A_245 = tpu.memref_squeeze %dma_start3A_244 : memref<1x128xi32, #tpu.memory_space<hbm>> -> memref<128xi32, #tpu.memory_space<hbm>>
      %dma_start3A_246 = arith.constant 0 : i32
      %dma_start3A_247 = tpu.memref_slice %arg13[%run_scoped3A_130, %dma_start3A_246] : memref<4x128xi32, #tpu.memory_space<vmem>> -> memref<1x128xi32, #tpu.memory_space<vmem>>
      %dma_start3A_248 = tpu.memref_squeeze %dma_start3A_247 : memref<1x128xi32, #tpu.memory_space<vmem>> -> memref<128xi32, #tpu.memory_space<vmem>>
      %dma_start3A_249 = tpu.memref_slice %arg3[%select_n3A_96, %add3A_129] : memref<8x2048xi32, #tpu.memory_space<hbm>> -> memref<1x128xi32, #tpu.memory_space<hbm>>
      %dma_start3A_250 = tpu.memref_squeeze %dma_start3A_249 : memref<1x128xi32, #tpu.memory_space<hbm>> -> memref<128xi32, #tpu.memory_space<hbm>>
      tpu.enqueue_dma source(%dma_start3A_250 : memref<128xi32, #tpu.memory_space<hbm>>) target(%dma_start3A_248 : memref<128xi32, #tpu.memory_space<vmem>>) target_semaphore(%run_scoped3A_240 : memref<!tpu.dma_semaphore, #tpu.memory_space<semaphore_mem>>)
      %dma_wait3A_251 = arith.constant 0 : i32
      %dma_wait3A_252 = tpu.memref_slice %arg13[%run_scoped3A_130, %dma_wait3A_251] : memref<4x128xi32, #tpu.memory_space<vmem>> -> memref<1x128xi32, #tpu.memory_space<vmem>>
      %dma_wait3A_253 = tpu.memref_squeeze %dma_wait3A_252 : memref<1x128xi32, #tpu.memory_space<vmem>> -> memref<128xi32, #tpu.memory_space<vmem>>
      %dma_wait3A_254 = tpu.memref_slice %arg3[%select_n3A_96, %add3A_129] : memref<8x2048xi32, #tpu.memory_space<hbm>> -> memref<1x128xi32, #tpu.memory_space<hbm>>
      %dma_wait3A_255 = tpu.memref_squeeze %dma_wait3A_254 : memref<1x128xi32, #tpu.memory_space<hbm>> -> memref<128xi32, #tpu.memory_space<hbm>>
      %dma_wait3A_256 = arith.constant 0 : i32
      %dma_wait3A_257 = tpu.memref_slice %arg13[%run_scoped3A_130, %dma_wait3A_256] : memref<4x128xi32, #tpu.memory_space<vmem>> -> memref<1x128xi32, #tpu.memory_space<vmem>>
      %dma_wait3A_258 = tpu.memref_squeeze %dma_wait3A_257 : memref<1x128xi32, #tpu.memory_space<vmem>> -> memref<128xi32, #tpu.memory_space<vmem>>
      %dma_wait3A_259 = tpu.memref_slice %arg3[%select_n3A_96, %add3A_129] : memref<8x2048xi32, #tpu.memory_space<hbm>> -> memref<1x128xi32, #tpu.memory_space<hbm>>
      %dma_wait3A_260 = tpu.memref_squeeze %dma_wait3A_259 : memref<1x128xi32, #tpu.memory_space<hbm>> -> memref<128xi32, #tpu.memory_space<hbm>>
      tpu.wait_dma2 semaphore(%run_scoped3A_240 : memref<!tpu.dma_semaphore, #tpu.memory_space<semaphore_mem>>) src(%dma_wait3A_260 : memref<128xi32, #tpu.memory_space<hbm>>) dst(%dma_wait3A_258 : memref<128xi32, #tpu.memory_space<vmem>>)
      tpu.yield
    }) : () -> ()
    %dma_start3A_131 = arith.constant 1 : i32
    %dma_start3A_132 = arith.constant 1 : i32
    %dma_start3A_133 = arith.constant 0 : i32
    %dma_start3A_134 = arith.constant 0 : i32
    %dma_start3A_135 = tpu.memref_slice %arg14[%dma_start3A_132, %dma_start3A_133, %dma_start3A_134] : memref<4x128x128xf32, #tpu.memory_space<vmem>> -> memref<1x128x128xf32, #tpu.memory_space<vmem>>
    %dma_start3A_136 = tpu.memref_squeeze %dma_start3A_135 : memref<1x128x128xf32, #tpu.memory_space<vmem>> -> memref<128x128xf32, #tpu.memory_space<vmem>>
    %dma_start3A_137 = arith.constant 0 : i32
    %dma_start3A_138 = tpu.memref_slice %arg13[%dma_start3A_131, %dma_start3A_137] : memref<4x128xi32, #tpu.memory_space<vmem>> -> memref<1x128xi32, #tpu.memory_space<vmem>>
    %dma_start3A_139 = tpu.memref_squeeze %dma_start3A_138 : memref<1x128xi32, #tpu.memory_space<vmem>> -> memref<128xi32, #tpu.memory_space<vmem>>
    %dma_start3A_140 = arith.constant 0 : i32
    %dma_start3A_141 = arith.constant 0 : i32
    %dma_start3A_142 = tpu.memref_slice %arg4[%dma_start3A_140, %dma_start3A_141] : memref<32768x128xf32, #tpu.memory_space<hbm>> -> memref<32768x128xf32, #tpu.memory_space<hbm>>
    tpu.enqueue_indirect_dma source(%dma_start3A_142 : memref<32768x128xf32, #tpu.memory_space<hbm>>) target(%dma_start3A_136 : memref<128x128xf32, #tpu.memory_space<vmem>>) offsets(%dma_start3A_139 : memref<128xi32, #tpu.memory_space<vmem>>) semaphore(%arg15 : memref<!tpu.dma_semaphore, #tpu.memory_space<semaphore_mem>>)
    %add3A_143 = arith.constant 256 : i32
    %add3A_144 = arith.addi %mul3A_114, %add3A_143 : i32
    %run_scoped3A_145 = arith.constant 2 : i32
    "tpu.region"() ({
      %run_scoped3A_240 = tpu.sem_alloc : memref<!tpu.dma_semaphore, #tpu.memory_space<semaphore_mem>>
      %dma_start3A_241 = arith.constant 0 : i32
      %dma_start3A_242 = tpu.memref_slice %arg13[%run_scoped3A_145, %dma_start3A_241] : memref<4x128xi32, #tpu.memory_space<vmem>> -> memref<1x128xi32, #tpu.memory_space<vmem>>
      %dma_start3A_243 = tpu.memref_squeeze %dma_start3A_242 : memref<1x128xi32, #tpu.memory_space<vmem>> -> memref<128xi32, #tpu.memory_space<vmem>>
      %dma_start3A_244 = tpu.memref_slice %arg3[%select_n3A_96, %add3A_144] : memref<8x2048xi32, #tpu.memory_space<hbm>> -> memref<1x128xi32, #tpu.memory_space<hbm>>
      %dma_start3A_245 = tpu.memref_squeeze %dma_start3A_244 : memref<1x128xi32, #tpu.memory_space<hbm>> -> memref<128xi32, #tpu.memory_space<hbm>>
      %dma_start3A_246 = arith.constant 0 : i32
      %dma_start3A_247 = tpu.memref_slice %arg13[%run_scoped3A_145, %dma_start3A_246] : memref<4x128xi32, #tpu.memory_space<vmem>> -> memref<1x128xi32, #tpu.memory_space<vmem>>
      %dma_start3A_248 = tpu.memref_squeeze %dma_start3A_247 : memref<1x128xi32, #tpu.memory_space<vmem>> -> memref<128xi32, #tpu.memory_space<vmem>>
      %dma_start3A_249 = tpu.memref_slice %arg3[%select_n3A_96, %add3A_144] : memref<8x2048xi32, #tpu.memory_space<hbm>> -> memref<1x128xi32, #tpu.memory_space<hbm>>
      %dma_start3A_250 = tpu.memref_squeeze %dma_start3A_249 : memref<1x128xi32, #tpu.memory_space<hbm>> -> memref<128xi32, #tpu.memory_space<hbm>>
      tpu.enqueue_dma source(%dma_start3A_250 : memref<128xi32, #tpu.memory_space<hbm>>) target(%dma_start3A_248 : memref<128xi32, #tpu.memory_space<vmem>>) target_semaphore(%run_scoped3A_240 : memref<!tpu.dma_semaphore, #tpu.memory_space<semaphore_mem>>)
      %dma_wait3A_251 = arith.constant 0 : i32
      %dma_wait3A_252 = tpu.memref_slice %arg13[%run_scoped3A_145, %dma_wait3A_251] : memref<4x128xi32, #tpu.memory_space<vmem>> -> memref<1x128xi32, #tpu.memory_space<vmem>>
      %dma_wait3A_253 = tpu.memref_squeeze %dma_wait3A_252 : memref<1x128xi32, #tpu.memory_space<vmem>> -> memref<128xi32, #tpu.memory_space<vmem>>
      %dma_wait3A_254 = tpu.memref_slice %arg3[%select_n3A_96, %add3A_144] : memref<8x2048xi32, #tpu.memory_space<hbm>> -> memref<1x128xi32, #tpu.memory_space<hbm>>
      %dma_wait3A_255 = tpu.memref_squeeze %dma_wait3A_254 : memref<1x128xi32, #tpu.memory_space<hbm>> -> memref<128xi32, #tpu.memory_space<hbm>>
      %dma_wait3A_256 = arith.constant 0 : i32
      %dma_wait3A_257 = tpu.memref_slice %arg13[%run_scoped3A_145, %dma_wait3A_256] : memref<4x128xi32, #tpu.memory_space<vmem>> -> memref<1x128xi32, #tpu.memory_space<vmem>>
      %dma_wait3A_258 = tpu.memref_squeeze %dma_wait3A_257 : memref<1x128xi32, #tpu.memory_space<vmem>> -> memref<128xi32, #tpu.memory_space<vmem>>
      %dma_wait3A_259 = tpu.memref_slice %arg3[%select_n3A_96, %add3A_144] : memref<8x2048xi32, #tpu.memory_space<hbm>> -> memref<1x128xi32, #tpu.memory_space<hbm>>
      %dma_wait3A_260 = tpu.memref_squeeze %dma_wait3A_259 : memref<1x128xi32, #tpu.memory_space<hbm>> -> memref<128xi32, #tpu.memory_space<hbm>>
      tpu.wait_dma2 semaphore(%run_scoped3A_240 : memref<!tpu.dma_semaphore, #tpu.memory_space<semaphore_mem>>) src(%dma_wait3A_260 : memref<128xi32, #tpu.memory_space<hbm>>) dst(%dma_wait3A_258 : memref<128xi32, #tpu.memory_space<vmem>>)
      tpu.yield
    }) : () -> ()
    %dma_start3A_146 = arith.constant 2 : i32
    %dma_start3A_147 = arith.constant 2 : i32
    %dma_start3A_148 = arith.constant 0 : i32
    %dma_start3A_149 = arith.constant 0 : i32
    %dma_start3A_150 = tpu.memref_slice %arg14[%dma_start3A_147, %dma_start3A_148, %dma_start3A_149] : memref<4x128x128xf32, #tpu.memory_space<vmem>> -> memref<1x128x128xf32, #tpu.memory_space<vmem>>
    %dma_start3A_151 = tpu.memref_squeeze %dma_start3A_150 : memref<1x128x128xf32, #tpu.memory_space<vmem>> -> memref<128x128xf32, #tpu.memory_space<vmem>>
    %dma_start3A_152 = arith.constant 0 : i32
    %dma_start3A_153 = tpu.memref_slice %arg13[%dma_start3A_146, %dma_start3A_152] : memref<4x128xi32, #tpu.memory_space<vmem>> -> memref<1x128xi32, #tpu.memory_space<vmem>>
    %dma_start3A_154 = tpu.memref_squeeze %dma_start3A_153 : memref<1x128xi32, #tpu.memory_space<vmem>> -> memref<128xi32, #tpu.memory_space<vmem>>
    %dma_start3A_155 = arith.constant 0 : i32
    %dma_start3A_156 = arith.constant 0 : i32
    %dma_start3A_157 = tpu.memref_slice %arg4[%dma_start3A_155, %dma_start3A_156] : memref<32768x128xf32, #tpu.memory_space<hbm>> -> memref<32768x128xf32, #tpu.memory_space<hbm>>
    tpu.enqueue_indirect_dma source(%dma_start3A_157 : memref<32768x128xf32, #tpu.memory_space<hbm>>) target(%dma_start3A_151 : memref<128x128xf32, #tpu.memory_space<vmem>>) offsets(%dma_start3A_154 : memref<128xi32, #tpu.memory_space<vmem>>) semaphore(%arg15 : memref<!tpu.dma_semaphore, #tpu.memory_space<semaphore_mem>>)
    %add3A_158 = arith.constant 384 : i32
    %add3A_159 = arith.addi %mul3A_114, %add3A_158 : i32
    %run_scoped3A_160 = arith.constant 3 : i32
    "tpu.region"() ({
      %run_scoped3A_240 = tpu.sem_alloc : memref<!tpu.dma_semaphore, #tpu.memory_space<semaphore_mem>>
      %dma_start3A_241 = arith.constant 0 : i32
      %dma_start3A_242 = tpu.memref_slice %arg13[%run_scoped3A_160, %dma_start3A_241] : memref<4x128xi32, #tpu.memory_space<vmem>> -> memref<1x128xi32, #tpu.memory_space<vmem>>
      %dma_start3A_243 = tpu.memref_squeeze %dma_start3A_242 : memref<1x128xi32, #tpu.memory_space<vmem>> -> memref<128xi32, #tpu.memory_space<vmem>>
      %dma_start3A_244 = tpu.memref_slice %arg3[%select_n3A_96, %add3A_159] : memref<8x2048xi32, #tpu.memory_space<hbm>> -> memref<1x128xi32, #tpu.memory_space<hbm>>
      %dma_start3A_245 = tpu.memref_squeeze %dma_start3A_244 : memref<1x128xi32, #tpu.memory_space<hbm>> -> memref<128xi32, #tpu.memory_space<hbm>>
      %dma_start3A_246 = arith.constant 0 : i32
      %dma_start3A_247 = tpu.memref_slice %arg13[%run_scoped3A_160, %dma_start3A_246] : memref<4x128xi32, #tpu.memory_space<vmem>> -> memref<1x128xi32, #tpu.memory_space<vmem>>
      %dma_start3A_248 = tpu.memref_squeeze %dma_start3A_247 : memref<1x128xi32, #tpu.memory_space<vmem>> -> memref<128xi32, #tpu.memory_space<vmem>>
      %dma_start3A_249 = tpu.memref_slice %arg3[%select_n3A_96, %add3A_159] : memref<8x2048xi32, #tpu.memory_space<hbm>> -> memref<1x128xi32, #tpu.memory_space<hbm>>
      %dma_start3A_250 = tpu.memref_squeeze %dma_start3A_249 : memref<1x128xi32, #tpu.memory_space<hbm>> -> memref<128xi32, #tpu.memory_space<hbm>>
      tpu.enqueue_dma source(%dma_start3A_250 : memref<128xi32, #tpu.memory_space<hbm>>) target(%dma_start3A_248 : memref<128xi32, #tpu.memory_space<vmem>>) target_semaphore(%run_scoped3A_240 : memref<!tpu.dma_semaphore, #tpu.memory_space<semaphore_mem>>)
      %dma_wait3A_251 = arith.constant 0 : i32
      %dma_wait3A_252 = tpu.memref_slice %arg13[%run_scoped3A_160, %dma_wait3A_251] : memref<4x128xi32, #tpu.memory_space<vmem>> -> memref<1x128xi32, #tpu.memory_space<vmem>>
      %dma_wait3A_253 = tpu.memref_squeeze %dma_wait3A_252 : memref<1x128xi32, #tpu.memory_space<vmem>> -> memref<128xi32, #tpu.memory_space<vmem>>
      %dma_wait3A_254 = tpu.memref_slice %arg3[%select_n3A_96, %add3A_159] : memref<8x2048xi32, #tpu.memory_space<hbm>> -> memref<1x128xi32, #tpu.memory_space<hbm>>
      %dma_wait3A_255 = tpu.memref_squeeze %dma_wait3A_254 : memref<1x128xi32, #tpu.memory_space<hbm>> -> memref<128xi32, #tpu.memory_space<hbm>>
      %dma_wait3A_256 = arith.constant 0 : i32
      %dma_wait3A_257 = tpu.memref_slice %arg13[%run_scoped3A_160, %dma_wait3A_256] : memref<4x128xi32, #tpu.memory_space<vmem>> -> memref<1x128xi32, #tpu.memory_space<vmem>>
      %dma_wait3A_258 = tpu.memref_squeeze %dma_wait3A_257 : memref<1x128xi32, #tpu.memory_space<vmem>> -> memref<128xi32, #tpu.memory_space<vmem>>
      %dma_wait3A_259 = tpu.memref_slice %arg3[%select_n3A_96, %add3A_159] : memref<8x2048xi32, #tpu.memory_space<hbm>> -> memref<1x128xi32, #tpu.memory_space<hbm>>
      %dma_wait3A_260 = tpu.memref_squeeze %dma_wait3A_259 : memref<1x128xi32, #tpu.memory_space<hbm>> -> memref<128xi32, #tpu.memory_space<hbm>>
      tpu.wait_dma2 semaphore(%run_scoped3A_240 : memref<!tpu.dma_semaphore, #tpu.memory_space<semaphore_mem>>) src(%dma_wait3A_260 : memref<128xi32, #tpu.memory_space<hbm>>) dst(%dma_wait3A_258 : memref<128xi32, #tpu.memory_space<vmem>>)
      tpu.yield
    }) : () -> ()
    %dma_start3A_161 = arith.constant 3 : i32
    %dma_start3A_162 = arith.constant 3 : i32
    %dma_start3A_163 = arith.constant 0 : i32
    %dma_start3A_164 = arith.constant 0 : i32
    %dma_start3A_165 = tpu.memref_slice %arg14[%dma_start3A_162, %dma_start3A_163, %dma_start3A_164] : memref<4x128x128xf32, #tpu.memory_space<vmem>> -> memref<1x128x128xf32, #tpu.memory_space<vmem>>
    %dma_start3A_166 = tpu.memref_squeeze %dma_start3A_165 : memref<1x128x128xf32, #tpu.memory_space<vmem>> -> memref<128x128xf32, #tpu.memory_space<vmem>>
    %dma_start3A_167 = arith.constant 0 : i32
    %dma_start3A_168 = tpu.memref_slice %arg13[%dma_start3A_161, %dma_start3A_167] : memref<4x128xi32, #tpu.memory_space<vmem>> -> memref<1x128xi32, #tpu.memory_space<vmem>>
    %dma_start3A_169 = tpu.memref_squeeze %dma_start3A_168 : memref<1x128xi32, #tpu.memory_space<vmem>> -> memref<128xi32, #tpu.memory_space<vmem>>
    %dma_start3A_170 = arith.constant 0 : i32
    %dma_start3A_171 = arith.constant 0 : i32
    %dma_start3A_172 = tpu.memref_slice %arg4[%dma_start3A_170, %dma_start3A_171] : memref<32768x128xf32, #tpu.memory_space<hbm>> -> memref<32768x128xf32, #tpu.memory_space<hbm>>
    tpu.enqueue_indirect_dma source(%dma_start3A_172 : memref<32768x128xf32, #tpu.memory_space<hbm>>) target(%dma_start3A_166 : memref<128x128xf32, #tpu.memory_space<vmem>>) offsets(%dma_start3A_169 : memref<128xi32, #tpu.memory_space<vmem>>) semaphore(%arg15 : memref<!tpu.dma_semaphore, #tpu.memory_space<semaphore_mem>>)
    "tpu.region"() ({
      %run_scoped3A_240 = tpu.sem_alloc : memref<!tpu.dma_semaphore, #tpu.memory_space<semaphore_mem>>
      %dma_start3A_241 = arith.constant 0 : i32
      %dma_start3A_242 = tpu.memref_slice %arg10[%dma_start3A_241] : memref<1040xi32, #tpu.memory_space<vmem>> -> memref<1024xi32, #tpu.memory_space<vmem>>
      %dma_start3A_243 = tpu.memref_slice %arg2[%select_n3A_54, %mul3A_72] : memref<8x2048xi32, #tpu.memory_space<hbm>> -> memref<1x1024xi32, #tpu.memory_space<hbm>>
      %dma_start3A_244 = tpu.memref_squeeze %dma_start3A_243 : memref<1x1024xi32, #tpu.memory_space<hbm>> -> memref<1024xi32, #tpu.memory_space<hbm>>
      %dma_start3A_245 = arith.constant 0 : i32
      %dma_start3A_246 = tpu.memref_slice %arg10[%dma_start3A_245] : memref<1040xi32, #tpu.memory_space<vmem>> -> memref<1024xi32, #tpu.memory_space<vmem>>
      %dma_start3A_247 = tpu.memref_slice %arg2[%select_n3A_54, %mul3A_72] : memref<8x2048xi32, #tpu.memory_space<hbm>> -> memref<1x1024xi32, #tpu.memory_space<hbm>>
      %dma_start3A_248 = tpu.memref_squeeze %dma_start3A_247 : memref<1x1024xi32, #tpu.memory_space<hbm>> -> memref<1024xi32, #tpu.memory_space<hbm>>
      tpu.enqueue_dma source(%dma_start3A_248 : memref<1024xi32, #tpu.memory_space<hbm>>) target(%dma_start3A_246 : memref<1024xi32, #tpu.memory_space<vmem>>) target_semaphore(%run_scoped3A_240 : memref<!tpu.dma_semaphore, #tpu.memory_space<semaphore_mem>>)
      %dma_wait3A_249 = arith.constant 0 : i32
      %dma_wait3A_250 = tpu.memref_slice %arg10[%dma_wait3A_249] : memref<1040xi32, #tpu.memory_space<vmem>> -> memref<1024xi32, #tpu.memory_space<vmem>>
      %dma_wait3A_251 = tpu.memref_slice %arg2[%select_n3A_54, %mul3A_72] : memref<8x2048xi32, #tpu.memory_space<hbm>> -> memref<1x1024xi32, #tpu.memory_space<hbm>>
      %dma_wait3A_252 = tpu.memref_squeeze %dma_wait3A_251 : memref<1x1024xi32, #tpu.memory_space<hbm>> -> memref<1024xi32, #tpu.memory_space<hbm>>
      %dma_wait3A_253 = arith.constant 0 : i32
      %dma_wait3A_254 = tpu.memref_slice %arg10[%dma_wait3A_253] : memref<1040xi32, #tpu.memory_space<vmem>> -> memref<1024xi32, #tpu.memory_space<vmem>>
      %dma_wait3A_255 = tpu.memref_slice %arg2[%select_n3A_54, %mul3A_72] : memref<8x2048xi32, #tpu.memory_space<hbm>> -> memref<1x1024xi32, #tpu.memory_space<hbm>>
      %dma_wait3A_256 = tpu.memref_squeeze %dma_wait3A_255 : memref<1x1024xi32, #tpu.memory_space<hbm>> -> memref<1024xi32, #tpu.memory_space<hbm>>
      tpu.wait_dma2 semaphore(%run_scoped3A_240 : memref<!tpu.dma_semaphore, #tpu.memory_space<semaphore_mem>>) src(%dma_wait3A_256 : memref<1024xi32, #tpu.memory_space<hbm>>) dst(%dma_wait3A_254 : memref<1024xi32, #tpu.memory_space<vmem>>)
      tpu.yield
    }) : () -> ()
    %eq3A_173 = arith.constant 0 : i32
    %eq3A_174 = arith.cmpi eq, %select_n3A, %eq3A_173 : i32
    %convert_element_type3A = arith.extui %eq3A_174 : i1 to i32
    %cond3A = arith.constant 0 : i32
    %cond3A_175 = arith.cmpi ne, %convert_element_type3A, %cond3A : i32
    scf.if %cond3A_175 {
      %scan3A = arith.constant -1 : i32
      %scan3A_240 = arith.constant 0 : i32
      %scan3A_241 = arith.constant 64 : i32
      %scan3A_242 = arith.addi %scan3A_240, %scan3A_241 : i32
      %scan3A_243 = arith.constant 1 : i32
      %scan3A_244 = scf.for %scan3A_252 = %scan3A_240 to %scan3A_242 step %scan3A_243 iter_args(%scan3A_253 = %scan3A) -> (i32)  : i32 {
        %iota3A = tpu.iota {dimensions = array<i32: 0>} : vector<16xi32>
        %mul3A_254 = arith.constant 16 : i32
        %mul3A_255 = arith.muli %scan3A_252, %mul3A_254 : i32
        %add3A_256 = arith.addi %mul3A_72, %mul3A_255 : i32
        %add3A_257 = vector.broadcast %add3A_256 : i32 to vector<16xi32>
        %add3A_258 = arith.addi %iota3A, %add3A_257 : vector<16xi32>
        %mul3A_259 = arith.constant 16 : i32
        %mul3A_260 = arith.muli %scan3A_252, %mul3A_259 : i32
        %get3A = arith.index_cast %mul3A_260 : i32 to index
        %get3A_261 = tpu.vector_load %arg10[%get3A] {strides = array<i32>} : memref<1040xi32, #tpu.memory_space<vmem>>, vector<16xi32>,
        %ne3A_262 = arith.constant 0 : i32
        %ne3A_263 = vector.broadcast %ne3A_262 : i32 to vector<16xi32>
        %ne3A_264 = arith.cmpi ne, %get3A_261, %ne3A_263 : vector<16xi32>
        %eq3A_265 = arith.constant 0 : i32
        %eq3A_266 = vector.broadcast %eq3A_265 : i32 to vector<16xi32>
        %eq3A_267 = arith.cmpi eq, %add3A_258, %eq3A_266 : vector<16xi32>
        %or3A = arith.ori %ne3A_264, %eq3A_267 : vector<16xi1>
        %jit3A_268 = arith.constant -1 : i32
        %broadcast_in_dim3A = vector.broadcast %jit3A_268 : i32 to vector<16xi32>
        %select_n3A_269 = arith.select %or3A, %add3A_258, %broadcast_in_dim3A : vector<16xi1>, vector<16xi32>
        %broadcast_in_dim3A_270 = arith.constant true
        %broadcast_in_dim3A_271 = vector.broadcast %broadcast_in_dim3A_270 : i1 to vector<16xi1>
        %masked_cummax3A = arith.constant -2147483648 : i32
        %masked_cummax3A_272 = vector.broadcast %masked_cummax3A : i32 to vector<16xi32>
        %masked_cummax3A_273 = arith.xori %select_n3A_269, %masked_cummax3A_272 : vector<16xi32>
        %masked_cummax3A_274 = tpu.scan <max>, %masked_cummax3A_273 masked %broadcast_in_dim3A_271 : vector<16xi32>, vector<16xi1> -> vector<16xi32>
        %masked_cummax3A_275 = arith.xori %masked_cummax3A_274, %masked_cummax3A_272 : vector<16xi32>
        %max3A = vector.broadcast %scan3A_253 : i32 to vector<16xi32>
        %max3A_276 = arith.maxsi %masked_cummax3A_275, %max3A : vector<16xi32>
        %mul3A_277 = arith.constant 16 : i32
        %mul3A_278 = arith.muli %scan3A_252, %mul3A_277 : i32
        %swap3A = arith.index_cast %mul3A_278 : i32 to index
        %swap3A_279 = tpu.vector_load %arg11[%swap3A] {strides = array<i32>} : memref<1024xi32, #tpu.memory_space<vmem>>, vector<16xi32>,
        tpu.vector_store %arg11[%swap3A], %max3A_276 {strides = array<i32>} : memref<1024xi32, #tpu.memory_space<vmem>>, vector<16xi32>,
        %reduce_max3A = arith.constant true
        %reduce_max3A_280 = vector.broadcast %reduce_max3A : i1 to vector<16xi1>
        %reduce_max3A_281 = arith.constant -2147483648 : i32
        %reduce_max3A_282 = vector.broadcast %reduce_max3A_281 : i32 to vector<16xi32>
        %reduce_max3A_283 = arith.xori %max3A_276, %reduce_max3A_282 : vector<16xi32>
        %reduce_max3A_284 = tpu.scan <max>, %reduce_max3A_283 masked %reduce_max3A_280 : vector<16xi32>, vector<16xi1> -> vector<16xi32>
        %reduce_max3A_285 = arith.xori %reduce_max3A_284, %reduce_max3A_282 : vector<16xi32>
        %reduce_max3A_286 = vector.extract %reduce_max3A_285[15] : i32 from vector<16xi32>
        scf.yield %reduce_max3A_286 : i32
      }
      %scan3A_245 = arith.constant 64 : i32
      %run_scoped3A_246 = arith.constant 0 : i32
      "tpu.region"() ({
        %run_scoped3A_252 = tpu.sem_alloc : memref<!tpu.dma_semaphore, #tpu.memory_space<semaphore_mem>>
        %dma_start3A_253 = tpu.memref_slice %arg5[%select_n3A_54, %run_scoped3A_246, %mul3A_72] : memref<8x1x2048xi32, #tpu.memory_space<hbm>> -> memref<1x1x1024xi32, #tpu.memory_space<hbm>>
        %dma_start3A_254 = tpu.memref_squeeze %dma_start3A_253 : memref<1x1x1024xi32, #tpu.memory_space<hbm>> -> memref<1024xi32, #tpu.memory_space<hbm>>
        %dma_start3A_255 = tpu.memref_slice %arg5[%select_n3A_54, %run_scoped3A_246, %mul3A_72] : memref<8x1x2048xi32, #tpu.memory_space<hbm>> -> memref<1x1x1024xi32, #tpu.memory_space<hbm>>
        %dma_start3A_256 = tpu.memref_squeeze %dma_start3A_255 : memref<1x1x1024xi32, #tpu.memory_space<hbm>> -> memref<1024xi32, #tpu.memory_space<hbm>>
        tpu.enqueue_dma source(%arg11 : memref<1024xi32, #tpu.memory_space<vmem>>) target(%dma_start3A_256 : memref<1024xi32, #tpu.memory_space<hbm>>) target_semaphore(%run_scoped3A_252 : memref<!tpu.dma_semaphore, #tpu.memory_space<semaphore_mem>>)
        %dma_wait3A_257 = tpu.memref_slice %arg5[%select_n3A_54, %run_scoped3A_246, %mul3A_72] : memref<8x1x2048xi32, #tpu.memory_space<hbm>> -> memref<1x1x1024xi32, #tpu.memory_space<hbm>>
        %dma_wait3A_258 = tpu.memref_squeeze %dma_wait3A_257 : memref<1x1x1024xi32, #tpu.memory_space<hbm>> -> memref<1024xi32, #tpu.memory_space<hbm>>
        %dma_wait3A_259 = tpu.memref_slice %arg5[%select_n3A_54, %run_scoped3A_246, %mul3A_72] : memref<8x1x2048xi32, #tpu.memory_space<hbm>> -> memref<1x1x1024xi32, #tpu.memory_space<hbm>>
        %dma_wait3A_260 = tpu.memref_squeeze %dma_wait3A_259 : memref<1x1x1024xi32, #tpu.memory_space<hbm>> -> memref<1024xi32, #tpu.memory_space<hbm>>
        tpu.wait_dma2 semaphore(%run_scoped3A_252 : memref<!tpu.dma_semaphore, #tpu.memory_space<semaphore_mem>>) src(%arg11 : memref<1024xi32, #tpu.memory_space<vmem>>) dst(%dma_wait3A_260 : memref<1024xi32, #tpu.memory_space<hbm>>)
        tpu.yield
      }) : () -> ()
      %eq3A_247 = arith.constant 0 : i32
      %eq3A_248 = arith.cmpi eq, %select_n3A_70, %eq3A_247 : i32
      %convert_element_type3A_249 = arith.extui %eq3A_248 : i1 to i32
      %cond3A_250 = arith.constant 0 : i32
      %cond3A_251 = arith.cmpi ne, %convert_element_type3A_249, %cond3A_250 : i32
      scf.if %cond3A_251 {
        %broadcast_in_dim3A = vector.broadcast %scan3A_244 : i32 to vector<16xi32>
        %swap3A = arith.constant 0 : index
        %swap3A_252 = tpu.vector_load %arg12[%swap3A] {strides = array<i32>} : memref<16xi32, #tpu.memory_space<vmem>>, vector<16xi32>,
        tpu.vector_store %arg12[%swap3A], %broadcast_in_dim3A {strides = array<i32>} : memref<16xi32, #tpu.memory_space<vmem>>, vector<16xi32>,
        "tpu.region"() ({
          %run_scoped3A_253 = tpu.sem_alloc : memref<!tpu.dma_semaphore, #tpu.memory_space<semaphore_mem>>
          %dma_start3A_254 = arith.constant 0 : i32
          %dma_start3A_255 = tpu.memref_slice %arg7[%select_n3A_54, %dma_start3A_254] : memref<8x16xi32, #tpu.memory_space<hbm>> -> memref<1x16xi32, #tpu.memory_space<hbm>>
          %dma_start3A_256 = tpu.memref_squeeze %dma_start3A_255 : memref<1x16xi32, #tpu.memory_space<hbm>> -> memref<16xi32, #tpu.memory_space<hbm>>
          %dma_start3A_257 = arith.constant 0 : i32
          %dma_start3A_258 = tpu.memref_slice %arg7[%select_n3A_54, %dma_start3A_257] : memref<8x16xi32, #tpu.memory_space<hbm>> -> memref<1x16xi32, #tpu.memory_space<hbm>>
          %dma_start3A_259 = tpu.memref_squeeze %dma_start3A_258 : memref<1x16xi32, #tpu.memory_space<hbm>> -> memref<16xi32, #tpu.memory_space<hbm>>
          tpu.enqueue_dma source(%arg12 : memref<16xi32, #tpu.memory_space<vmem>>) target(%dma_start3A_259 : memref<16xi32, #tpu.memory_space<hbm>>) target_semaphore(%run_scoped3A_253 : memref<!tpu.dma_semaphore, #tpu.memory_space<semaphore_mem>>)
          %dma_wait3A_260 = arith.constant 0 : i32
          %dma_wait3A_261 = tpu.memref_slice %arg7[%select_n3A_54, %dma_wait3A_260] : memref<8x16xi32, #tpu.memory_space<hbm>> -> memref<1x16xi32, #tpu.memory_space<hbm>>
          %dma_wait3A_262 = tpu.memref_squeeze %dma_wait3A_261 : memref<1x16xi32, #tpu.memory_space<hbm>> -> memref<16xi32, #tpu.memory_space<hbm>>
          %dma_wait3A_263 = arith.constant 0 : i32
          %dma_wait3A_264 = tpu.memref_slice %arg7[%select_n3A_54, %dma_wait3A_263] : memref<8x16xi32, #tpu.memory_space<hbm>> -> memref<1x16xi32, #tpu.memory_space<hbm>>
          %dma_wait3A_265 = tpu.memref_squeeze %dma_wait3A_264 : memref<1x16xi32, #tpu.memory_space<hbm>> -> memref<16xi32, #tpu.memory_space<hbm>>
          tpu.wait_dma2 semaphore(%run_scoped3A_253 : memref<!tpu.dma_semaphore, #tpu.memory_space<semaphore_mem>>) src(%arg12 : memref<16xi32, #tpu.memory_space<vmem>>) dst(%dma_wait3A_265 : memref<16xi32, #tpu.memory_space<hbm>>)
          tpu.yield
        }) : () -> ()
      } else {
      }
    } else {
    }
    %eq3A_176 = arith.constant 1 : i32
    %eq3A_177 = arith.cmpi eq, %select_n3A, %eq3A_176 : i32
    %convert_element_type3A_178 = arith.extui %eq3A_177 : i1 to i32
    %cond3A_179 = arith.constant 0 : i32
    %cond3A_180 = arith.cmpi ne, %convert_element_type3A_178, %cond3A_179 : i32
    scf.if %cond3A_180 {
      %broadcast_in_dim3A = arith.constant 0 : i32
      %broadcast_in_dim3A_240 = vector.broadcast %broadcast_in_dim3A : i32 to vector<16xi32>
      %swap3A = arith.constant 1024 : index
      %swap3A_241 = tpu.vector_load %arg10[%swap3A] {strides = array<i32>} : memref<1040xi32, #tpu.memory_space<vmem>>, vector<16xi32>,
      tpu.vector_store %arg10[%swap3A], %broadcast_in_dim3A_240 {strides = array<i32>} : memref<1040xi32, #tpu.memory_space<vmem>>, vector<16xi32>,
      %scan3A = arith.constant 2048 : i32
      %scan3A_242 = arith.constant 0 : i32
      %scan3A_243 = arith.constant 64 : i32
      %scan3A_244 = arith.addi %scan3A_242, %scan3A_243 : i32
      %scan3A_245 = arith.constant 1 : i32
      %scan3A_246 = scf.for %scan3A_254 = %scan3A_242 to %scan3A_244 step %scan3A_245 iter_args(%scan3A_255 = %scan3A) -> (i32)  : i32 {
        %sub3A_256 = arith.constant 63 : i32
        %sub3A_257 = arith.subi %sub3A_256, %scan3A_254 : i32
        %mul3A_258 = arith.constant 16 : i32
        %mul3A_259 = arith.muli %sub3A_257, %mul3A_258 : i32
        %add3A_260 = arith.constant 1 : i32
        %add3A_261 = arith.addi %mul3A_259, %add3A_260 : i32
        %get3A = arith.index_cast %add3A_261 : i32 to index
        %get3A_262 = tpu.vector_load %arg10[%get3A] {strides = array<i32>} : memref<1040xi32, #tpu.memory_space<vmem>>, vector<16xi32>,
        %iota3A = tpu.iota {dimensions = array<i32: 0>} : vector<16xi32>
        %add3A_263 = arith.addi %mul3A_72, %add3A_261 : i32
        %add3A_264 = vector.broadcast %add3A_263 : i32 to vector<16xi32>
        %add3A_265 = arith.addi %iota3A, %add3A_264 : vector<16xi32>
        %ne3A_266 = arith.constant 0 : i32
        %ne3A_267 = vector.broadcast %ne3A_266 : i32 to vector<16xi32>
        %ne3A_268 = arith.cmpi ne, %get3A_262, %ne3A_267 : vector<16xi32>
        %jit3A_269 = arith.constant 2048 : i32
        %broadcast_in_dim3A_270 = vector.broadcast %jit3A_269 : i32 to vector<16xi32>
        %select_n3A_271 = arith.select %ne3A_268, %add3A_265, %broadcast_in_dim3A_270 : vector<16xi1>, vector<16xi32>
        %rev3A = arith.constant 15 : i32
        %rev3A_272 = vector.broadcast %rev3A : i32 to vector<16xi32>
        %rev3A_273 = tpu.iota {dimensions = array<i32: 0>} : vector<16xi32>
        %rev3A_274 = arith.subi %rev3A_272, %rev3A_273 : vector<16xi32>
        %rev3A_275 = tpu.dynamic_gather %select_n3A_271[%rev3A_274] in [0] : vector<16xi32>, vector<16xi32> -> vector<16xi32>
        %neg3A = arith.constant 0 : i32
        %neg3A_276 = vector.broadcast %neg3A : i32 to vector<16xi32>
        %neg3A_277 = arith.subi %neg3A_276, %rev3A_275 : vector<16xi32>
        %broadcast_in_dim3A_278 = arith.constant true
        %broadcast_in_dim3A_279 = vector.broadcast %broadcast_in_dim3A_278 : i1 to vector<16xi1>
        %masked_cummax3A = arith.constant -2147483648 : i32
        %masked_cummax3A_280 = vector.broadcast %masked_cummax3A : i32 to vector<16xi32>
        %masked_cummax3A_281 = arith.xori %neg3A_277, %masked_cummax3A_280 : vector<16xi32>
        %masked_cummax3A_282 = tpu.scan <max>, %masked_cummax3A_281 masked %broadcast_in_dim3A_279 : vector<16xi32>, vector<16xi1> -> vector<16xi32>
        %masked_cummax3A_283 = arith.xori %masked_cummax3A_282, %masked_cummax3A_280 : vector<16xi32>
        %neg3A_284 = arith.constant 0 : i32
        %neg3A_285 = vector.broadcast %neg3A_284 : i32 to vector<16xi32>
        %neg3A_286 = arith.subi %neg3A_285, %masked_cummax3A_283 : vector<16xi32>
        %rev3A_287 = arith.constant 15 : i32
        %rev3A_288 = vector.broadcast %rev3A_287 : i32 to vector<16xi32>
        %rev3A_289 = tpu.iota {dimensions = array<i32: 0>} : vector<16xi32>
        %rev3A_290 = arith.subi %rev3A_288, %rev3A_289 : vector<16xi32>
        %rev3A_291 = tpu.dynamic_gather %neg3A_286[%rev3A_290] in [0] : vector<16xi32>, vector<16xi32> -> vector<16xi32>
        %min3A = vector.broadcast %scan3A_255 : i32 to vector<16xi32>
        %min3A_292 = arith.minsi %rev3A_291, %min3A : vector<16xi32>
        %mul3A_293 = arith.constant 16 : i32
        %mul3A_294 = arith.muli %sub3A_257, %mul3A_293 : i32
        %swap3A_295 = arith.index_cast %mul3A_294 : i32 to index
        %swap3A_296 = tpu.vector_load %arg11[%swap3A_295] {strides = array<i32>} : memref<1024xi32, #tpu.memory_space<vmem>>, vector<16xi32>,
        tpu.vector_store %arg11[%swap3A_295], %min3A_292 {strides = array<i32>} : memref<1024xi32, #tpu.memory_space<vmem>>, vector<16xi32>,
        %reduce_min3A = arith.constant true
        %reduce_min3A_297 = vector.broadcast %reduce_min3A : i1 to vector<16xi1>
        %reduce_min3A_298 = arith.constant -2147483648 : i32
        %reduce_min3A_299 = vector.broadcast %reduce_min3A_298 : i32 to vector<16xi32>
        %reduce_min3A_300 = arith.xori %select_n3A_271, %reduce_min3A_299 : vector<16xi32>
        %reduce_min3A_301 = tpu.scan <min>, %reduce_min3A_300 masked %reduce_min3A_297 : vector<16xi32>, vector<16xi1> -> vector<16xi32>
        %reduce_min3A_302 = arith.xori %reduce_min3A_301, %reduce_min3A_299 : vector<16xi32>
        %reduce_min3A_303 = vector.extract %reduce_min3A_302[15] : i32 from vector<16xi32>
        %min3A_304 = arith.minsi %reduce_min3A_303, %scan3A_255 : i32
        scf.yield %min3A_304 : i32
      }
      %scan3A_247 = arith.constant 64 : i32
      %run_scoped3A_248 = arith.constant 0 : i32
      "tpu.region"() ({
        %run_scoped3A_254 = tpu.sem_alloc : memref<!tpu.dma_semaphore, #tpu.memory_space<semaphore_mem>>
        %dma_start3A_255 = tpu.memref_slice %arg6[%select_n3A_54, %run_scoped3A_248, %mul3A_72] : memref<8x1x2048xi32, #tpu.memory_space<hbm>> -> memref<1x1x1024xi32, #tpu.memory_space<hbm>>
        %dma_start3A_256 = tpu.memref_squeeze %dma_start3A_255 : memref<1x1x1024xi32, #tpu.memory_space<hbm>> -> memref<1024xi32, #tpu.memory_space<hbm>>
        %dma_start3A_257 = tpu.memref_slice %arg6[%select_n3A_54, %run_scoped3A_248, %mul3A_72] : memref<8x1x2048xi32, #tpu.memory_space<hbm>> -> memref<1x1x1024xi32, #tpu.memory_space<hbm>>
        %dma_start3A_258 = tpu.memref_squeeze %dma_start3A_257 : memref<1x1x1024xi32, #tpu.memory_space<hbm>> -> memref<1024xi32, #tpu.memory_space<hbm>>
        tpu.enqueue_dma source(%arg11 : memref<1024xi32, #tpu.memory_space<vmem>>) target(%dma_start3A_258 : memref<1024xi32, #tpu.memory_space<hbm>>) target_semaphore(%run_scoped3A_254 : memref<!tpu.dma_semaphore, #tpu.memory_space<semaphore_mem>>)
        %dma_wait3A_259 = tpu.memref_slice %arg6[%select_n3A_54, %run_scoped3A_248, %mul3A_72] : memref<8x1x2048xi32, #tpu.memory_space<hbm>> -> memref<1x1x1024xi32, #tpu.memory_space<hbm>>
        %dma_wait3A_260 = tpu.memref_squeeze %dma_wait3A_259 : memref<1x1x1024xi32, #tpu.memory_space<hbm>> -> memref<1024xi32, #tpu.memory_space<hbm>>
        %dma_wait3A_261 = tpu.memref_slice %arg6[%select_n3A_54, %run_scoped3A_248, %mul3A_72] : memref<8x1x2048xi32, #tpu.memory_space<hbm>> -> memref<1x1x1024xi32, #tpu.memory_space<hbm>>
        %dma_wait3A_262 = tpu.memref_squeeze %dma_wait3A_261 : memref<1x1x1024xi32, #tpu.memory_space<hbm>> -> memref<1024xi32, #tpu.memory_space<hbm>>
        tpu.wait_dma2 semaphore(%run_scoped3A_254 : memref<!tpu.dma_semaphore, #tpu.memory_space<semaphore_mem>>) src(%arg11 : memref<1024xi32, #tpu.memory_space<vmem>>) dst(%dma_wait3A_262 : memref<1024xi32, #tpu.memory_space<hbm>>)
        tpu.yield
      }) : () -> ()
      %eq3A_249 = arith.constant 1 : i32
      %eq3A_250 = arith.cmpi eq, %select_n3A_70, %eq3A_249 : i32
      %convert_element_type3A_251 = arith.extui %eq3A_250 : i1 to i32
      %cond3A_252 = arith.constant 0 : i32
      %cond3A_253 = arith.cmpi ne, %convert_element_type3A_251, %cond3A_252 : i32
      scf.if %cond3A_253 {
        %get3A = arith.constant 0 : index
        %get3A_254 = tpu.vector_load %arg10[%get3A] {strides = array<i32>} : memref<1040xi32, #tpu.memory_space<vmem>>, vector<16xi32>,
        %iota3A = tpu.iota {dimensions = array<i32: 0>} : vector<16xi32>
        %eq3A_255 = arith.constant 0 : i32
        %eq3A_256 = vector.broadcast %eq3A_255 : i32 to vector<16xi32>
        %eq3A_257 = arith.cmpi eq, %iota3A, %eq3A_256 : vector<16xi32>
        %ne3A_258 = arith.constant 0 : i32
        %ne3A_259 = vector.broadcast %ne3A_258 : i32 to vector<16xi32>
        %ne3A_260 = arith.cmpi ne, %get3A_254, %ne3A_259 : vector<16xi32>
        %and3A_261 = arith.andi %eq3A_257, %ne3A_260 : vector<16xi1>
        %jit3A_262 = arith.constant 2048 : i32
        %broadcast_in_dim3A_263 = vector.broadcast %mul3A_72 : i32 to vector<16xi32>
        %broadcast_in_dim3A_264 = vector.broadcast %jit3A_262 : i32 to vector<16xi32>
        %select_n3A_265 = arith.select %and3A_261, %broadcast_in_dim3A_263, %broadcast_in_dim3A_264 : vector<16xi1>, vector<16xi32>
        %reduce_min3A = arith.constant true
        %reduce_min3A_266 = vector.broadcast %reduce_min3A : i1 to vector<16xi1>
        %reduce_min3A_267 = arith.constant -2147483648 : i32
        %reduce_min3A_268 = vector.broadcast %reduce_min3A_267 : i32 to vector<16xi32>
        %reduce_min3A_269 = arith.xori %select_n3A_265, %reduce_min3A_268 : vector<16xi32>
        %reduce_min3A_270 = tpu.scan <min>, %reduce_min3A_269 masked %reduce_min3A_266 : vector<16xi32>, vector<16xi1> -> vector<16xi32>
        %reduce_min3A_271 = arith.xori %reduce_min3A_270, %reduce_min3A_268 : vector<16xi32>
        %reduce_min3A_272 = vector.extract %reduce_min3A_271[15] : i32 from vector<16xi32>
        %min3A = arith.minsi %scan3A_246, %reduce_min3A_272 : i32
        %broadcast_in_dim3A_273 = vector.broadcast %min3A : i32 to vector<16xi32>
        %swap3A_274 = arith.constant 0 : index
        %swap3A_275 = tpu.vector_load %arg12[%swap3A_274] {strides = array<i32>} : memref<16xi32, #tpu.memory_space<vmem>>, vector<16xi32>,
        tpu.vector_store %arg12[%swap3A_274], %broadcast_in_dim3A_273 {strides = array<i32>} : memref<16xi32, #tpu.memory_space<vmem>>, vector<16xi32>,
        "tpu.region"() ({
          %run_scoped3A_276 = tpu.sem_alloc : memref<!tpu.dma_semaphore, #tpu.memory_space<semaphore_mem>>
          %dma_start3A_277 = arith.constant 0 : i32
          %dma_start3A_278 = tpu.memref_slice %arg8[%select_n3A_54, %dma_start3A_277] : memref<8x16xi32, #tpu.memory_space<hbm>> -> memref<1x16xi32, #tpu.memory_space<hbm>>
          %dma_start3A_279 = tpu.memref_squeeze %dma_start3A_278 : memref<1x16xi32, #tpu.memory_space<hbm>> -> memref<16xi32, #tpu.memory_space<hbm>>
          %dma_start3A_280 = arith.constant 0 : i32
          %dma_start3A_281 = tpu.memref_slice %arg8[%select_n3A_54, %dma_start3A_280] : memref<8x16xi32, #tpu.memory_space<hbm>> -> memref<1x16xi32, #tpu.memory_space<hbm>>
          %dma_start3A_282 = tpu.memref_squeeze %dma_start3A_281 : memref<1x16xi32, #tpu.memory_space<hbm>> -> memref<16xi32, #tpu.memory_space<hbm>>
          tpu.enqueue_dma source(%arg12 : memref<16xi32, #tpu.memory_space<vmem>>) target(%dma_start3A_282 : memref<16xi32, #tpu.memory_space<hbm>>) target_semaphore(%run_scoped3A_276 : memref<!tpu.dma_semaphore, #tpu.memory_space<semaphore_mem>>)
          %dma_wait3A_283 = arith.constant 0 : i32
          %dma_wait3A_284 = tpu.memref_slice %arg8[%select_n3A_54, %dma_wait3A_283] : memref<8x16xi32, #tpu.memory_space<hbm>> -> memref<1x16xi32, #tpu.memory_space<hbm>>
          %dma_wait3A_285 = tpu.memref_squeeze %dma_wait3A_284 : memref<1x16xi32, #tpu.memory_space<hbm>> -> memref<16xi32, #tpu.memory_space<hbm>>
          %dma_wait3A_286 = arith.constant 0 : i32
          %dma_wait3A_287 = tpu.memref_slice %arg8[%select_n3A_54, %dma_wait3A_286] : memref<8x16xi32, #tpu.memory_space<hbm>> -> memref<1x16xi32, #tpu.memory_space<hbm>>
          %dma_wait3A_288 = tpu.memref_squeeze %dma_wait3A_287 : memref<1x16xi32, #tpu.memory_space<hbm>> -> memref<16xi32, #tpu.memory_space<hbm>>
          tpu.wait_dma2 semaphore(%run_scoped3A_276 : memref<!tpu.dma_semaphore, #tpu.memory_space<semaphore_mem>>) src(%arg12 : memref<16xi32, #tpu.memory_space<vmem>>) dst(%dma_wait3A_288 : memref<16xi32, #tpu.memory_space<hbm>>)
          tpu.yield
        }) : () -> ()
      } else {
      }
    } else {
    }
    %dma_wait3A = arith.constant 0 : i32
    %dma_wait3A_181 = arith.constant 0 : i32
    %dma_wait3A_182 = arith.constant 0 : i32
    %dma_wait3A_183 = arith.constant 0 : i32
    %dma_wait3A_184 = tpu.memref_slice %arg14[%dma_wait3A_181, %dma_wait3A_182, %dma_wait3A_183] : memref<4x128x128xf32, #tpu.memory_space<vmem>> -> memref<1x128x128xf32, #tpu.memory_space<vmem>>
    %dma_wait3A_185 = tpu.memref_squeeze %dma_wait3A_184 : memref<1x128x128xf32, #tpu.memory_space<vmem>> -> memref<128x128xf32, #tpu.memory_space<vmem>>
    %dma_wait3A_186 = arith.constant 0 : i32
    %dma_wait3A_187 = tpu.memref_slice %arg13[%dma_wait3A, %dma_wait3A_186] : memref<4x128xi32, #tpu.memory_space<vmem>> -> memref<1x128xi32, #tpu.memory_space<vmem>>
    %dma_wait3A_188 = tpu.memref_squeeze %dma_wait3A_187 : memref<1x128xi32, #tpu.memory_space<vmem>> -> memref<128xi32, #tpu.memory_space<vmem>>
    %dma_wait3A_189 = arith.constant 0 : i32
    %dma_wait3A_190 = arith.constant 0 : i32
    %dma_wait3A_191 = tpu.memref_slice %arg4[%dma_wait3A_189, %dma_wait3A_190] : memref<32768x128xf32, #tpu.memory_space<hbm>> -> memref<32768x128xf32, #tpu.memory_space<hbm>>
    tpu.wait_indirect_dma semaphore(%arg15 : memref<!tpu.dma_semaphore, #tpu.memory_space<semaphore_mem>>) src(%dma_wait3A_191 : memref<32768x128xf32, #tpu.memory_space<hbm>>) dst(%dma_wait3A_185 : memref<128x128xf32, #tpu.memory_space<vmem>>)
    %add3A_192 = arith.constant 0 : i32
    %add3A_193 = arith.addi %mul3A_114, %add3A_192 : i32
    %run_scoped3A_194 = arith.constant 0 : i32
    "tpu.region"() ({
      %run_scoped3A_240 = tpu.sem_alloc : memref<!tpu.dma_semaphore, #tpu.memory_space<semaphore_mem>>
      %dma_start3A_241 = arith.constant 0 : i32
      %dma_start3A_242 = arith.constant 0 : i32
      %dma_start3A_243 = tpu.memref_slice %arg14[%run_scoped3A_194, %dma_start3A_241, %dma_start3A_242] : memref<4x128x128xf32, #tpu.memory_space<vmem>> -> memref<1x128x128xf32, #tpu.memory_space<vmem>>
      %dma_start3A_244 = tpu.memref_squeeze %dma_start3A_243 : memref<1x128x128xf32, #tpu.memory_space<vmem>> -> memref<128x128xf32, #tpu.memory_space<vmem>>
      %dma_start3A_245 = arith.constant 0 : i32
      %dma_start3A_246 = tpu.memref_slice %arg9[%select_n3A_96, %add3A_193, %dma_start3A_245] : memref<8x2048x128xf32, #tpu.memory_space<hbm>> -> memref<1x128x128xf32, #tpu.memory_space<hbm>>
      %dma_start3A_247 = tpu.memref_squeeze %dma_start3A_246 : memref<1x128x128xf32, #tpu.memory_space<hbm>> -> memref<128x128xf32, #tpu.memory_space<hbm>>
      %dma_start3A_248 = arith.constant 0 : i32
      %dma_start3A_249 = tpu.memref_slice %arg9[%select_n3A_96, %add3A_193, %dma_start3A_248] : memref<8x2048x128xf32, #tpu.memory_space<hbm>> -> memref<1x128x128xf32, #tpu.memory_space<hbm>>
      %dma_start3A_250 = tpu.memref_squeeze %dma_start3A_249 : memref<1x128x128xf32, #tpu.memory_space<hbm>> -> memref<128x128xf32, #tpu.memory_space<hbm>>
      %dma_start3A_251 = arith.constant 0 : i32
      %dma_start3A_252 = arith.constant 0 : i32
      %dma_start3A_253 = tpu.memref_slice %arg14[%run_scoped3A_194, %dma_start3A_251, %dma_start3A_252] : memref<4x128x128xf32, #tpu.memory_space<vmem>> -> memref<1x128x128xf32, #tpu.memory_space<vmem>>
      %dma_start3A_254 = tpu.memref_squeeze %dma_start3A_253 : memref<1x128x128xf32, #tpu.memory_space<vmem>> -> memref<128x128xf32, #tpu.memory_space<vmem>>
      tpu.enqueue_dma source(%dma_start3A_254 : memref<128x128xf32, #tpu.memory_space<vmem>>) target(%dma_start3A_250 : memref<128x128xf32, #tpu.memory_space<hbm>>) target_semaphore(%run_scoped3A_240 : memref<!tpu.dma_semaphore, #tpu.memory_space<semaphore_mem>>)
      %dma_wait3A_255 = arith.constant 0 : i32
      %dma_wait3A_256 = arith.constant 0 : i32
      %dma_wait3A_257 = tpu.memref_slice %arg14[%run_scoped3A_194, %dma_wait3A_255, %dma_wait3A_256] : memref<4x128x128xf32, #tpu.memory_space<vmem>> -> memref<1x128x128xf32, #tpu.memory_space<vmem>>
      %dma_wait3A_258 = tpu.memref_squeeze %dma_wait3A_257 : memref<1x128x128xf32, #tpu.memory_space<vmem>> -> memref<128x128xf32, #tpu.memory_space<vmem>>
      %dma_wait3A_259 = arith.constant 0 : i32
      %dma_wait3A_260 = tpu.memref_slice %arg9[%select_n3A_96, %add3A_193, %dma_wait3A_259] : memref<8x2048x128xf32, #tpu.memory_space<hbm>> -> memref<1x128x128xf32, #tpu.memory_space<hbm>>
      %dma_wait3A_261 = tpu.memref_squeeze %dma_wait3A_260 : memref<1x128x128xf32, #tpu.memory_space<hbm>> -> memref<128x128xf32, #tpu.memory_space<hbm>>
      %dma_wait3A_262 = arith.constant 0 : i32
      %dma_wait3A_263 = tpu.memref_slice %arg9[%select_n3A_96, %add3A_193, %dma_wait3A_262] : memref<8x2048x128xf32, #tpu.memory_space<hbm>> -> memref<1x128x128xf32, #tpu.memory_space<hbm>>
      %dma_wait3A_264 = tpu.memref_squeeze %dma_wait3A_263 : memref<1x128x128xf32, #tpu.memory_space<hbm>> -> memref<128x128xf32, #tpu.memory_space<hbm>>
      %dma_wait3A_265 = arith.constant 0 : i32
      %dma_wait3A_266 = arith.constant 0 : i32
      %dma_wait3A_267 = tpu.memref_slice %arg14[%run_scoped3A_194, %dma_wait3A_265, %dma_wait3A_266] : memref<4x128x128xf32, #tpu.memory_space<vmem>> -> memref<1x128x128xf32, #tpu.memory_space<vmem>>
      %dma_wait3A_268 = tpu.memref_squeeze %dma_wait3A_267 : memref<1x128x128xf32, #tpu.memory_space<vmem>> -> memref<128x128xf32, #tpu.memory_space<vmem>>
      tpu.wait_dma2 semaphore(%run_scoped3A_240 : memref<!tpu.dma_semaphore, #tpu.memory_space<semaphore_mem>>) src(%dma_wait3A_268 : memref<128x128xf32, #tpu.memory_space<vmem>>) dst(%dma_wait3A_264 : memref<128x128xf32, #tpu.memory_space<hbm>>)
      tpu.yield
    }) : () -> ()
    %dma_wait3A_195 = arith.constant 1 : i32
    %dma_wait3A_196 = arith.constant 1 : i32
    %dma_wait3A_197 = arith.constant 0 : i32
    %dma_wait3A_198 = arith.constant 0 : i32
    %dma_wait3A_199 = tpu.memref_slice %arg14[%dma_wait3A_196, %dma_wait3A_197, %dma_wait3A_198] : memref<4x128x128xf32, #tpu.memory_space<vmem>> -> memref<1x128x128xf32, #tpu.memory_space<vmem>>
    %dma_wait3A_200 = tpu.memref_squeeze %dma_wait3A_199 : memref<1x128x128xf32, #tpu.memory_space<vmem>> -> memref<128x128xf32, #tpu.memory_space<vmem>>
    %dma_wait3A_201 = arith.constant 0 : i32
    %dma_wait3A_202 = tpu.memref_slice %arg13[%dma_wait3A_195, %dma_wait3A_201] : memref<4x128xi32, #tpu.memory_space<vmem>> -> memref<1x128xi32, #tpu.memory_space<vmem>>
    %dma_wait3A_203 = tpu.memref_squeeze %dma_wait3A_202 : memref<1x128xi32, #tpu.memory_space<vmem>> -> memref<128xi32, #tpu.memory_space<vmem>>
    %dma_wait3A_204 = arith.constant 0 : i32
    %dma_wait3A_205 = arith.constant 0 : i32
    %dma_wait3A_206 = tpu.memref_slice %arg4[%dma_wait3A_204, %dma_wait3A_205] : memref<32768x128xf32, #tpu.memory_space<hbm>> -> memref<32768x128xf32, #tpu.memory_space<hbm>>
    tpu.wait_indirect_dma semaphore(%arg15 : memref<!tpu.dma_semaphore, #tpu.memory_space<semaphore_mem>>) src(%dma_wait3A_206 : memref<32768x128xf32, #tpu.memory_space<hbm>>) dst(%dma_wait3A_200 : memref<128x128xf32, #tpu.memory_space<vmem>>)
    %add3A_207 = arith.constant 128 : i32
    %add3A_208 = arith.addi %mul3A_114, %add3A_207 : i32
    %run_scoped3A_209 = arith.constant 1 : i32
    "tpu.region"() ({
      %run_scoped3A_240 = tpu.sem_alloc : memref<!tpu.dma_semaphore, #tpu.memory_space<semaphore_mem>>
      %dma_start3A_241 = arith.constant 0 : i32
      %dma_start3A_242 = arith.constant 0 : i32
      %dma_start3A_243 = tpu.memref_slice %arg14[%run_scoped3A_209, %dma_start3A_241, %dma_start3A_242] : memref<4x128x128xf32, #tpu.memory_space<vmem>> -> memref<1x128x128xf32, #tpu.memory_space<vmem>>
      %dma_start3A_244 = tpu.memref_squeeze %dma_start3A_243 : memref<1x128x128xf32, #tpu.memory_space<vmem>> -> memref<128x128xf32, #tpu.memory_space<vmem>>
      %dma_start3A_245 = arith.constant 0 : i32
      %dma_start3A_246 = tpu.memref_slice %arg9[%select_n3A_96, %add3A_208, %dma_start3A_245] : memref<8x2048x128xf32, #tpu.memory_space<hbm>> -> memref<1x128x128xf32, #tpu.memory_space<hbm>>
      %dma_start3A_247 = tpu.memref_squeeze %dma_start3A_246 : memref<1x128x128xf32, #tpu.memory_space<hbm>> -> memref<128x128xf32, #tpu.memory_space<hbm>>
      %dma_start3A_248 = arith.constant 0 : i32
      %dma_start3A_249 = tpu.memref_slice %arg9[%select_n3A_96, %add3A_208, %dma_start3A_248] : memref<8x2048x128xf32, #tpu.memory_space<hbm>> -> memref<1x128x128xf32, #tpu.memory_space<hbm>>
      %dma_start3A_250 = tpu.memref_squeeze %dma_start3A_249 : memref<1x128x128xf32, #tpu.memory_space<hbm>> -> memref<128x128xf32, #tpu.memory_space<hbm>>
      %dma_start3A_251 = arith.constant 0 : i32
      %dma_start3A_252 = arith.constant 0 : i32
      %dma_start3A_253 = tpu.memref_slice %arg14[%run_scoped3A_209, %dma_start3A_251, %dma_start3A_252] : memref<4x128x128xf32, #tpu.memory_space<vmem>> -> memref<1x128x128xf32, #tpu.memory_space<vmem>>
      %dma_start3A_254 = tpu.memref_squeeze %dma_start3A_253 : memref<1x128x128xf32, #tpu.memory_space<vmem>> -> memref<128x128xf32, #tpu.memory_space<vmem>>
      tpu.enqueue_dma source(%dma_start3A_254 : memref<128x128xf32, #tpu.memory_space<vmem>>) target(%dma_start3A_250 : memref<128x128xf32, #tpu.memory_space<hbm>>) target_semaphore(%run_scoped3A_240 : memref<!tpu.dma_semaphore, #tpu.memory_space<semaphore_mem>>)
      %dma_wait3A_255 = arith.constant 0 : i32
      %dma_wait3A_256 = arith.constant 0 : i32
      %dma_wait3A_257 = tpu.memref_slice %arg14[%run_scoped3A_209, %dma_wait3A_255, %dma_wait3A_256] : memref<4x128x128xf32, #tpu.memory_space<vmem>> -> memref<1x128x128xf32, #tpu.memory_space<vmem>>
      %dma_wait3A_258 = tpu.memref_squeeze %dma_wait3A_257 : memref<1x128x128xf32, #tpu.memory_space<vmem>> -> memref<128x128xf32, #tpu.memory_space<vmem>>
      %dma_wait3A_259 = arith.constant 0 : i32
      %dma_wait3A_260 = tpu.memref_slice %arg9[%select_n3A_96, %add3A_208, %dma_wait3A_259] : memref<8x2048x128xf32, #tpu.memory_space<hbm>> -> memref<1x128x128xf32, #tpu.memory_space<hbm>>
      %dma_wait3A_261 = tpu.memref_squeeze %dma_wait3A_260 : memref<1x128x128xf32, #tpu.memory_space<hbm>> -> memref<128x128xf32, #tpu.memory_space<hbm>>
      %dma_wait3A_262 = arith.constant 0 : i32
      %dma_wait3A_263 = tpu.memref_slice %arg9[%select_n3A_96, %add3A_208, %dma_wait3A_262] : memref<8x2048x128xf32, #tpu.memory_space<hbm>> -> memref<1x128x128xf32, #tpu.memory_space<hbm>>
      %dma_wait3A_264 = tpu.memref_squeeze %dma_wait3A_263 : memref<1x128x128xf32, #tpu.memory_space<hbm>> -> memref<128x128xf32, #tpu.memory_space<hbm>>
      %dma_wait3A_265 = arith.constant 0 : i32
      %dma_wait3A_266 = arith.constant 0 : i32
      %dma_wait3A_267 = tpu.memref_slice %arg14[%run_scoped3A_209, %dma_wait3A_265, %dma_wait3A_266] : memref<4x128x128xf32, #tpu.memory_space<vmem>> -> memref<1x128x128xf32, #tpu.memory_space<vmem>>
      %dma_wait3A_268 = tpu.memref_squeeze %dma_wait3A_267 : memref<1x128x128xf32, #tpu.memory_space<vmem>> -> memref<128x128xf32, #tpu.memory_space<vmem>>
      tpu.wait_dma2 semaphore(%run_scoped3A_240 : memref<!tpu.dma_semaphore, #tpu.memory_space<semaphore_mem>>) src(%dma_wait3A_268 : memref<128x128xf32, #tpu.memory_space<vmem>>) dst(%dma_wait3A_264 : memref<128x128xf32, #tpu.memory_space<hbm>>)
      tpu.yield
    }) : () -> ()
    %dma_wait3A_210 = arith.constant 2 : i32
    %dma_wait3A_211 = arith.constant 2 : i32
    %dma_wait3A_212 = arith.constant 0 : i32
    %dma_wait3A_213 = arith.constant 0 : i32
    %dma_wait3A_214 = tpu.memref_slice %arg14[%dma_wait3A_211, %dma_wait3A_212, %dma_wait3A_213] : memref<4x128x128xf32, #tpu.memory_space<vmem>> -> memref<1x128x128xf32, #tpu.memory_space<vmem>>
    %dma_wait3A_215 = tpu.memref_squeeze %dma_wait3A_214 : memref<1x128x128xf32, #tpu.memory_space<vmem>> -> memref<128x128xf32, #tpu.memory_space<vmem>>
    %dma_wait3A_216 = arith.constant 0 : i32
    %dma_wait3A_217 = tpu.memref_slice %arg13[%dma_wait3A_210, %dma_wait3A_216] : memref<4x128xi32, #tpu.memory_space<vmem>> -> memref<1x128xi32, #tpu.memory_space<vmem>>
    %dma_wait3A_218 = tpu.memref_squeeze %dma_wait3A_217 : memref<1x128xi32, #tpu.memory_space<vmem>> -> memref<128xi32, #tpu.memory_space<vmem>>
    %dma_wait3A_219 = arith.constant 0 : i32
    %dma_wait3A_220 = arith.constant 0 : i32
    %dma_wait3A_221 = tpu.memref_slice %arg4[%dma_wait3A_219, %dma_wait3A_220] : memref<32768x128xf32, #tpu.memory_space<hbm>> -> memref<32768x128xf32, #tpu.memory_space<hbm>>
    tpu.wait_indirect_dma semaphore(%arg15 : memref<!tpu.dma_semaphore, #tpu.memory_space<semaphore_mem>>) src(%dma_wait3A_221 : memref<32768x128xf32, #tpu.memory_space<hbm>>) dst(%dma_wait3A_215 : memref<128x128xf32, #tpu.memory_space<vmem>>)
    %add3A_222 = arith.constant 256 : i32
    %add3A_223 = arith.addi %mul3A_114, %add3A_222 : i32
    %run_scoped3A_224 = arith.constant 2 : i32
    "tpu.region"() ({
      %run_scoped3A_240 = tpu.sem_alloc : memref<!tpu.dma_semaphore, #tpu.memory_space<semaphore_mem>>
      %dma_start3A_241 = arith.constant 0 : i32
      %dma_start3A_242 = arith.constant 0 : i32
      %dma_start3A_243 = tpu.memref_slice %arg14[%run_scoped3A_224, %dma_start3A_241, %dma_start3A_242] : memref<4x128x128xf32, #tpu.memory_space<vmem>> -> memref<1x128x128xf32, #tpu.memory_space<vmem>>
      %dma_start3A_244 = tpu.memref_squeeze %dma_start3A_243 : memref<1x128x128xf32, #tpu.memory_space<vmem>> -> memref<128x128xf32, #tpu.memory_space<vmem>>
      %dma_start3A_245 = arith.constant 0 : i32
      %dma_start3A_246 = tpu.memref_slice %arg9[%select_n3A_96, %add3A_223, %dma_start3A_245] : memref<8x2048x128xf32, #tpu.memory_space<hbm>> -> memref<1x128x128xf32, #tpu.memory_space<hbm>>
      %dma_start3A_247 = tpu.memref_squeeze %dma_start3A_246 : memref<1x128x128xf32, #tpu.memory_space<hbm>> -> memref<128x128xf32, #tpu.memory_space<hbm>>
      %dma_start3A_248 = arith.constant 0 : i32
      %dma_start3A_249 = tpu.memref_slice %arg9[%select_n3A_96, %add3A_223, %dma_start3A_248] : memref<8x2048x128xf32, #tpu.memory_space<hbm>> -> memref<1x128x128xf32, #tpu.memory_space<hbm>>
      %dma_start3A_250 = tpu.memref_squeeze %dma_start3A_249 : memref<1x128x128xf32, #tpu.memory_space<hbm>> -> memref<128x128xf32, #tpu.memory_space<hbm>>
      %dma_start3A_251 = arith.constant 0 : i32
      %dma_start3A_252 = arith.constant 0 : i32
      %dma_start3A_253 = tpu.memref_slice %arg14[%run_scoped3A_224, %dma_start3A_251, %dma_start3A_252] : memref<4x128x128xf32, #tpu.memory_space<vmem>> -> memref<1x128x128xf32, #tpu.memory_space<vmem>>
      %dma_start3A_254 = tpu.memref_squeeze %dma_start3A_253 : memref<1x128x128xf32, #tpu.memory_space<vmem>> -> memref<128x128xf32, #tpu.memory_space<vmem>>
      tpu.enqueue_dma source(%dma_start3A_254 : memref<128x128xf32, #tpu.memory_space<vmem>>) target(%dma_start3A_250 : memref<128x128xf32, #tpu.memory_space<hbm>>) target_semaphore(%run_scoped3A_240 : memref<!tpu.dma_semaphore, #tpu.memory_space<semaphore_mem>>)
      %dma_wait3A_255 = arith.constant 0 : i32
      %dma_wait3A_256 = arith.constant 0 : i32
      %dma_wait3A_257 = tpu.memref_slice %arg14[%run_scoped3A_224, %dma_wait3A_255, %dma_wait3A_256] : memref<4x128x128xf32, #tpu.memory_space<vmem>> -> memref<1x128x128xf32, #tpu.memory_space<vmem>>
      %dma_wait3A_258 = tpu.memref_squeeze %dma_wait3A_257 : memref<1x128x128xf32, #tpu.memory_space<vmem>> -> memref<128x128xf32, #tpu.memory_space<vmem>>
      %dma_wait3A_259 = arith.constant 0 : i32
      %dma_wait3A_260 = tpu.memref_slice %arg9[%select_n3A_96, %add3A_223, %dma_wait3A_259] : memref<8x2048x128xf32, #tpu.memory_space<hbm>> -> memref<1x128x128xf32, #tpu.memory_space<hbm>>
      %dma_wait3A_261 = tpu.memref_squeeze %dma_wait3A_260 : memref<1x128x128xf32, #tpu.memory_space<hbm>> -> memref<128x128xf32, #tpu.memory_space<hbm>>
      %dma_wait3A_262 = arith.constant 0 : i32
      %dma_wait3A_263 = tpu.memref_slice %arg9[%select_n3A_96, %add3A_223, %dma_wait3A_262] : memref<8x2048x128xf32, #tpu.memory_space<hbm>> -> memref<1x128x128xf32, #tpu.memory_space<hbm>>
      %dma_wait3A_264 = tpu.memref_squeeze %dma_wait3A_263 : memref<1x128x128xf32, #tpu.memory_space<hbm>> -> memref<128x128xf32, #tpu.memory_space<hbm>>
      %dma_wait3A_265 = arith.constant 0 : i32
      %dma_wait3A_266 = arith.constant 0 : i32
      %dma_wait3A_267 = tpu.memref_slice %arg14[%run_scoped3A_224, %dma_wait3A_265, %dma_wait3A_266] : memref<4x128x128xf32, #tpu.memory_space<vmem>> -> memref<1x128x128xf32, #tpu.memory_space<vmem>>
      %dma_wait3A_268 = tpu.memref_squeeze %dma_wait3A_267 : memref<1x128x128xf32, #tpu.memory_space<vmem>> -> memref<128x128xf32, #tpu.memory_space<vmem>>
      tpu.wait_dma2 semaphore(%run_scoped3A_240 : memref<!tpu.dma_semaphore, #tpu.memory_space<semaphore_mem>>) src(%dma_wait3A_268 : memref<128x128xf32, #tpu.memory_space<vmem>>) dst(%dma_wait3A_264 : memref<128x128xf32, #tpu.memory_space<hbm>>)
      tpu.yield
    }) : () -> ()
    %dma_wait3A_225 = arith.constant 3 : i32
    %dma_wait3A_226 = arith.constant 3 : i32
    %dma_wait3A_227 = arith.constant 0 : i32
    %dma_wait3A_228 = arith.constant 0 : i32
    %dma_wait3A_229 = tpu.memref_slice %arg14[%dma_wait3A_226, %dma_wait3A_227, %dma_wait3A_228] : memref<4x128x128xf32, #tpu.memory_space<vmem>> -> memref<1x128x128xf32, #tpu.memory_space<vmem>>
    %dma_wait3A_230 = tpu.memref_squeeze %dma_wait3A_229 : memref<1x128x128xf32, #tpu.memory_space<vmem>> -> memref<128x128xf32, #tpu.memory_space<vmem>>
    %dma_wait3A_231 = arith.constant 0 : i32
    %dma_wait3A_232 = tpu.memref_slice %arg13[%dma_wait3A_225, %dma_wait3A_231] : memref<4x128xi32, #tpu.memory_space<vmem>> -> memref<1x128xi32, #tpu.memory_space<vmem>>
    %dma_wait3A_233 = tpu.memref_squeeze %dma_wait3A_232 : memref<1x128xi32, #tpu.memory_space<vmem>> -> memref<128xi32, #tpu.memory_space<vmem>>
    %dma_wait3A_234 = arith.constant 0 : i32
    %dma_wait3A_235 = arith.constant 0 : i32
    %dma_wait3A_236 = tpu.memref_slice %arg4[%dma_wait3A_234, %dma_wait3A_235] : memref<32768x128xf32, #tpu.memory_space<hbm>> -> memref<32768x128xf32, #tpu.memory_space<hbm>>
    tpu.wait_indirect_dma semaphore(%arg15 : memref<!tpu.dma_semaphore, #tpu.memory_space<semaphore_mem>>) src(%dma_wait3A_236 : memref<32768x128xf32, #tpu.memory_space<hbm>>) dst(%dma_wait3A_230 : memref<128x128xf32, #tpu.memory_space<vmem>>)
    %add3A_237 = arith.constant 384 : i32
    %add3A_238 = arith.addi %mul3A_114, %add3A_237 : i32
    %run_scoped3A_239 = arith.constant 3 : i32
    "tpu.region"() ({
      %run_scoped3A_240 = tpu.sem_alloc : memref<!tpu.dma_semaphore, #tpu.memory_space<semaphore_mem>>
      %dma_start3A_241 = arith.constant 0 : i32
      %dma_start3A_242 = arith.constant 0 : i32
      %dma_start3A_243 = tpu.memref_slice %arg14[%run_scoped3A_239, %dma_start3A_241, %dma_start3A_242] : memref<4x128x128xf32, #tpu.memory_space<vmem>> -> memref<1x128x128xf32, #tpu.memory_space<vmem>>
      %dma_start3A_244 = tpu.memref_squeeze %dma_start3A_243 : memref<1x128x128xf32, #tpu.memory_space<vmem>> -> memref<128x128xf32, #tpu.memory_space<vmem>>
      %dma_start3A_245 = arith.constant 0 : i32
      %dma_start3A_246 = tpu.memref_slice %arg9[%select_n3A_96, %add3A_238, %dma_start3A_245] : memref<8x2048x128xf32, #tpu.memory_space<hbm>> -> memref<1x128x128xf32, #tpu.memory_space<hbm>>
      %dma_start3A_247 = tpu.memref_squeeze %dma_start3A_246 : memref<1x128x128xf32, #tpu.memory_space<hbm>> -> memref<128x128xf32, #tpu.memory_space<hbm>>
      %dma_start3A_248 = arith.constant 0 : i32
      %dma_start3A_249 = tpu.memref_slice %arg9[%select_n3A_96, %add3A_238, %dma_start3A_248] : memref<8x2048x128xf32, #tpu.memory_space<hbm>> -> memref<1x128x128xf32, #tpu.memory_space<hbm>>
      %dma_start3A_250 = tpu.memref_squeeze %dma_start3A_249 : memref<1x128x128xf32, #tpu.memory_space<hbm>> -> memref<128x128xf32, #tpu.memory_space<hbm>>
      %dma_start3A_251 = arith.constant 0 : i32
      %dma_start3A_252 = arith.constant 0 : i32
      %dma_start3A_253 = tpu.memref_slice %arg14[%run_scoped3A_239, %dma_start3A_251, %dma_start3A_252] : memref<4x128x128xf32, #tpu.memory_space<vmem>> -> memref<1x128x128xf32, #tpu.memory_space<vmem>>
      %dma_start3A_254 = tpu.memref_squeeze %dma_start3A_253 : memref<1x128x128xf32, #tpu.memory_space<vmem>> -> memref<128x128xf32, #tpu.memory_space<vmem>>
      tpu.enqueue_dma source(%dma_start3A_254 : memref<128x128xf32, #tpu.memory_space<vmem>>) target(%dma_start3A_250 : memref<128x128xf32, #tpu.memory_space<hbm>>) target_semaphore(%run_scoped3A_240 : memref<!tpu.dma_semaphore, #tpu.memory_space<semaphore_mem>>)
      %dma_wait3A_255 = arith.constant 0 : i32
      %dma_wait3A_256 = arith.constant 0 : i32
      %dma_wait3A_257 = tpu.memref_slice %arg14[%run_scoped3A_239, %dma_wait3A_255, %dma_wait3A_256] : memref<4x128x128xf32, #tpu.memory_space<vmem>> -> memref<1x128x128xf32, #tpu.memory_space<vmem>>
      %dma_wait3A_258 = tpu.memref_squeeze %dma_wait3A_257 : memref<1x128x128xf32, #tpu.memory_space<vmem>> -> memref<128x128xf32, #tpu.memory_space<vmem>>
      %dma_wait3A_259 = arith.constant 0 : i32
      %dma_wait3A_260 = tpu.memref_slice %arg9[%select_n3A_96, %add3A_238, %dma_wait3A_259] : memref<8x2048x128xf32, #tpu.memory_space<hbm>> -> memref<1x128x128xf32, #tpu.memory_space<hbm>>
      %dma_wait3A_261 = tpu.memref_squeeze %dma_wait3A_260 : memref<1x128x128xf32, #tpu.memory_space<hbm>> -> memref<128x128xf32, #tpu.memory_space<hbm>>
      %dma_wait3A_262 = arith.constant 0 : i32
      %dma_wait3A_263 = tpu.memref_slice %arg9[%select_n3A_96, %add3A_238, %dma_wait3A_262] : memref<8x2048x128xf32, #tpu.memory_space<hbm>> -> memref<1x128x128xf32, #tpu.memory_space<hbm>>
      %dma_wait3A_264 = tpu.memref_squeeze %dma_wait3A_263 : memref<1x128x128xf32, #tpu.memory_space<hbm>> -> memref<128x128xf32, #tpu.memory_space<hbm>>
      %dma_wait3A_265 = arith.constant 0 : i32
      %dma_wait3A_266 = arith.constant 0 : i32
      %dma_wait3A_267 = tpu.memref_slice %arg14[%run_scoped3A_239, %dma_wait3A_265, %dma_wait3A_266] : memref<4x128x128xf32, #tpu.memory_space<vmem>> -> memref<1x128x128xf32, #tpu.memory_space<vmem>>
      %dma_wait3A_268 = tpu.memref_squeeze %dma_wait3A_267 : memref<1x128x128xf32, #tpu.memory_space<vmem>> -> memref<128x128xf32, #tpu.memory_space<vmem>>
      tpu.wait_dma2 semaphore(%run_scoped3A_240 : memref<!tpu.dma_semaphore, #tpu.memory_space<semaphore_mem>>) src(%dma_wait3A_268 : memref<128x128xf32, #tpu.memory_space<vmem>>) dst(%dma_wait3A_264 : memref<128x128xf32, #tpu.memory_space<hbm>>)
      tpu.yield
    }) : () -> ()
    return
  }
}

module attributes {stable_mosaic.version = 14 : i64} {
  func.func @_assemble_body(%arg0: i32, %arg1: i32, %arg2: memref<1024x1024xf32, #tpu.memory_space<vmem>>, %arg3: memref<1024x1088xf32, #tpu.memory_space<vmem>>, %arg4: memref<64x3xf32, #tpu.memory_space<vmem>>, %arg5: memref<1x64xf32, #tpu.memory_space<vmem>>, %arg6: memref<1x1024xf32, #tpu.memory_space<vmem>>, %arg7: memref<1x1x1024xi32, #tpu.memory_space<vmem>>, %arg8: memref<1x1x1024xi32, #tpu.memory_space<vmem>>, %arg9: memref<1x1x1024xi32, #tpu.memory_space<vmem>>, %arg10: memref<1x1024x128xf32, #tpu.memory_space<vmem>>, %arg11: memref<16x1024xf32, #tpu.memory_space<vmem>>, %arg12: memref<16x128xf32, #tpu.memory_space<vmem>>, %arg13: memref<1x1x16xi32, #tpu.memory_space<vmem>>, %arg14: memref<1x1x16xi32, #tpu.memory_space<vmem>>, %arg15: memref<1x1024x1024xf32, #tpu.memory_space<vmem>>, %arg16: memref<1024x1024xf32, #tpu.memory_space<vmem>>, %arg17: memref<3x1024xf32, #tpu.memory_space<vmem>>) attributes {dimension_semantics = [#tpu.dimension_semantics<arbitrary>, #tpu.dimension_semantics<arbitrary>], iteration_bounds = array<i64: 2, 8>, scalar_prefetch = 0 : i64, scratch_operands = 2 : i64, tpu.core_type = #tpu.core_type<tc>, window_params = [{transform_indices = @transform_0, window_bounds = array<i64: 1024, 1024>}, {pipeline_mode = #tpu.pipeline_mode<synchronous>, transform_indices = @transform_1, window_bounds = array<i64: 1024, 1088>}, {pipeline_mode = #tpu.pipeline_mode<synchronous>, transform_indices = @transform_2, window_bounds = array<i64: 64, 3>}, {pipeline_mode = #tpu.pipeline_mode<synchronous>, transform_indices = @transform_3, window_bounds = array<i64: 1, 64>}, {pipeline_mode = #tpu.pipeline_mode<synchronous>, transform_indices = @transform_4, window_bounds = array<i64: 1, 1024>}, {transform_indices = @transform_5, window_bounds = array<i64: 1, 1, 1024>}, {transform_indices = @transform_6, window_bounds = array<i64: 1, 1, 1024>}, {transform_indices = @transform_7, window_bounds = array<i64: 1, 1, 1024>}, {transform_indices = @transform_8, window_bounds = array<i64: 1, 1024, 128>}, {pipeline_mode = #tpu.pipeline_mode<synchronous>, transform_indices = @transform_9, window_bounds = array<i64: 16, 1024>}, {pipeline_mode = #tpu.pipeline_mode<synchronous>, transform_indices = @transform_10, window_bounds = array<i64: 16, 128>}, {transform_indices = @transform_11, window_bounds = array<i64: 1, 1, 16>}, {transform_indices = @transform_12, window_bounds = array<i64: 1, 1, 16>}, {transform_indices = @transform_13, window_bounds = array<i64: 1, 1024, 1024>}]} {
    %eq3A = arith.constant 0 : i32
    %eq3A_0 = arith.cmpi eq, %arg1, %eq3A : i32
    %convert_element_type3A = arith.extui %eq3A_0 : i1 to i32
    %cond3A = arith.constant 0 : i32
    %cond3A_1 = arith.cmpi ne, %convert_element_type3A, %cond3A : i32
    scf.if %cond3A_1 {
      %get3A_101 = arith.constant 0 : index
      %get3A_102 = arith.constant 0 : index
      %get3A_103 = vector.load %arg3[%get3A_101, %get3A_102] : memref<1024x1088xf32, #tpu.memory_space<vmem>>, vector<1024x1024xf32>
      %get3A_104 = arith.constant 0 : index
      %get3A_105 = arith.constant 1024 : index
      %get3A_106 = vector.load %arg3[%get3A_104, %get3A_105] : memref<1024x1088xf32, #tpu.memory_space<vmem>>, vector<1024x64xf32>
      %get3A_107 = arith.constant 0 : index
      %get3A_108 = arith.constant 0 : index
      %get3A_109 = vector.load %arg2[%get3A_107, %get3A_108] : memref<1024x1024xf32, #tpu.memory_space<vmem>>, vector<1024x1024xf32>
      %dot_general3A_110 = arith.constant dense<0.000000e+00> : vector<1024x1024xf32>
      %dot_general3A_111 = tpu.matmul %get3A_109, %get3A_103, %dot_general3A_110 {dimension_numbers = #tpu.dot_dimension_numbers<[1], [1], [0], [0], [0, 0, 1, 0], [], []>, transpose_lhs_hint = false} : vector<1024x1024xf32>, vector<1024x1024xf32>, vector<1024x1024xf32> -> vector<1024x1024xf32>
      %get3A_112 = arith.constant 0 : index
      %get3A_113 = arith.constant 0 : index
      %get3A_114 = vector.load %arg5[%get3A_112, %get3A_113] : memref<1x64xf32, #tpu.memory_space<vmem>>, vector<1x64xf32>
      %dot_general3A_115 = arith.constant dense<0.000000e+00> : vector<1x1024xf32>
      %dot_general3A_116 = tpu.matmul %get3A_114, %get3A_106, %dot_general3A_115 {dimension_numbers = #tpu.dot_dimension_numbers<[1], [1], [0], [0], [0, 0, 1, 0], [], []>, transpose_lhs_hint = false} : vector<1x64xf32>, vector<1024x64xf32>, vector<1x1024xf32> -> vector<1x1024xf32>
      %get3A_117 = arith.constant 0 : index
      %get3A_118 = arith.constant 0 : index
      %get3A_119 = vector.load %arg6[%get3A_117, %get3A_118] : memref<1x1024xf32, #tpu.memory_space<vmem>>, vector<1x1024xf32>
      %add3A_120 = vector.broadcast %get3A_119 : vector<1x1024xf32> to vector<1024x1024xf32>
      %add3A_121 = arith.addf %dot_general3A_111, %add3A_120 : vector<1024x1024xf32>
      %add3A_122 = vector.broadcast %dot_general3A_116 : vector<1x1024xf32> to vector<1024x1024xf32>
      %add3A_123 = arith.addf %add3A_121, %add3A_122 : vector<1024x1024xf32>
      %swap3A_124 = arith.constant 0 : index
      %swap3A_125 = arith.constant 0 : index
      %swap3A_126 = vector.load %arg16[%swap3A_124, %swap3A_125] : memref<1024x1024xf32, #tpu.memory_space<vmem>>, vector<1024x1024xf32>
      tpu.vector_store %arg16[%swap3A_124, %swap3A_125], %add3A_123 {strides = array<i32>} : memref<1024x1024xf32, #tpu.memory_space<vmem>>, vector<1024x1024xf32>,
    } else {
    }
    %eq3A_2 = arith.constant 0 : i32
    %eq3A_3 = arith.cmpi eq, %arg0, %eq3A_2 : i32
    %eq3A_4 = arith.constant 0 : i32
    %eq3A_5 = arith.cmpi eq, %arg1, %eq3A_4 : i32
    %and3A = arith.andi %eq3A_3, %eq3A_5 : i1
    %convert_element_type3A_6 = arith.extui %and3A : i1 to i32
    %cond3A_7 = arith.constant 0 : i32
    %cond3A_8 = arith.cmpi ne, %convert_element_type3A_6, %cond3A_7 : i32
    scf.if %cond3A_8 {
      %get3A_101 = arith.constant 0 : index
      %get3A_102 = arith.constant 1024 : index
      %get3A_103 = vector.load %arg3[%get3A_101, %get3A_102] : memref<1024x1088xf32, #tpu.memory_space<vmem>>, vector<1024x64xf32>
      %get3A_104 = arith.constant 0 : index
      %get3A_105 = arith.constant 0 : index
      %get3A_106 = vector.load %arg4[%get3A_104, %get3A_105] : memref<64x3xf32, #tpu.memory_space<vmem>>, vector<64x3xf32>
      %dot_general3A_107 = arith.constant dense<0.000000e+00> : vector<3x1024xf32>
      %dot_general3A_108 = tpu.matmul %get3A_106, %get3A_103, %dot_general3A_107 {dimension_numbers = #tpu.dot_dimension_numbers<[0], [1], [1], [0], [0, 1, 1, 0], [], []>, transpose_lhs_hint = false} : vector<64x3xf32>, vector<1024x64xf32>, vector<3x1024xf32> -> vector<3x1024xf32>
      %swap3A_109 = arith.constant 0 : index
      %swap3A_110 = arith.constant 0 : index
      %swap3A_111 = vector.load %arg17[%swap3A_109, %swap3A_110] : memref<3x1024xf32, #tpu.memory_space<vmem>>, vector<3x1024xf32>
      tpu.vector_store %arg17[%swap3A_109, %swap3A_110], %dot_general3A_108 {strides = array<i32>} : memref<3x1024xf32, #tpu.memory_space<vmem>>, vector<3x1024xf32>,
    } else {
    }
    %get3A = arith.constant 0 : index
    %get3A_9 = arith.constant 0 : index
    %get3A_10 = vector.load %arg16[%get3A, %get3A_9] : memref<1024x1024xf32, #tpu.memory_space<vmem>>, vector<1024x1024xf32>
    %get3A_11 = arith.constant 0 : index
    %get3A_12 = arith.constant 0 : index
    %get3A_13 = arith.constant 0 : index
    %get3A_14 = vector.load %arg7[%get3A_11, %get3A_12, %get3A_13] : memref<1x1x1024xi32, #tpu.memory_space<vmem>>, vector<1x1x1024xi32>
    %get3A_15 = vector.shape_cast %get3A_14 : vector<1x1x1024xi32> to vector<1x1024xi32>
    %get3A_16 = arith.constant 0 : index
    %get3A_17 = arith.constant 0 : index
    %get3A_18 = arith.constant 0 : index
    %get3A_19 = vector.load %arg8[%get3A_16, %get3A_17, %get3A_18] : memref<1x1x1024xi32, #tpu.memory_space<vmem>>, vector<1x1x1024xi32>
    %get3A_20 = vector.shape_cast %get3A_19 : vector<1x1x1024xi32> to vector<1x1024xi32>
    %get3A_21 = arith.constant 0 : index
    %get3A_22 = arith.constant 0 : index
    %get3A_23 = arith.constant 0 : index
    %get3A_24 = vector.load %arg9[%get3A_21, %get3A_22, %get3A_23] : memref<1x1x1024xi32, #tpu.memory_space<vmem>>, vector<1x1x1024xi32>
    %get3A_25 = vector.shape_cast %get3A_24 : vector<1x1x1024xi32> to vector<1x1024xi32>
    %get3A_26 = arith.constant 0 : index
    %get3A_27 = arith.constant 0 : index
    %get3A_28 = arith.constant 0 : index
    %get3A_29 = vector.load %arg13[%get3A_26, %get3A_27, %get3A_28] : memref<1x1x16xi32, #tpu.memory_space<vmem>>, vector<1x1x16xi32>
    %get3A_30 = vector.shape_cast %get3A_29 : vector<1x1x16xi32> to vector<1x16xi32>
    %reduce_max3A = vector.shape_cast %get3A_30 : vector<1x16xi32> to vector<1x1x16xi32>
    %reduce_max3A_31 = arith.constant dense<-2147483648> : vector<1xi32>
    %reduce_max3A_32 = vector.multi_reduction <maxsi>, %reduce_max3A, %reduce_max3A_31 [1, 2] : vector<1x1x16xi32> to vector<1xi32>
    %reduce_max3A_33 = vector.shape_cast %reduce_max3A_32 : vector<1xi32> to vector<1x1x1xi32>
    %reduce_max3A_34 = vector.extract %reduce_max3A_33[0, 0, 0] : i32 from vector<1x1x1xi32>
    %get3A_35 = arith.constant 0 : index
    %get3A_36 = arith.constant 0 : index
    %get3A_37 = arith.constant 0 : index
    %get3A_38 = vector.load %arg14[%get3A_35, %get3A_36, %get3A_37] : memref<1x1x16xi32, #tpu.memory_space<vmem>>, vector<1x1x16xi32>
    %get3A_39 = vector.shape_cast %get3A_38 : vector<1x1x16xi32> to vector<1x16xi32>
    %reduce_min3A = vector.shape_cast %get3A_39 : vector<1x16xi32> to vector<1x1x16xi32>
    %reduce_min3A_40 = arith.constant dense<2147483647> : vector<1xi32>
    %reduce_min3A_41 = vector.multi_reduction <minsi>, %reduce_min3A, %reduce_min3A_40 [1, 2] : vector<1x1x16xi32> to vector<1xi32>
    %reduce_min3A_42 = vector.shape_cast %reduce_min3A_41 : vector<1xi32> to vector<1x1x1xi32>
    %reduce_min3A_43 = vector.extract %reduce_min3A_42[0, 0, 0] : i32 from vector<1x1x1xi32>
    %lt3A = arith.constant 1 : i32
    %lt3A_44 = arith.cmpi slt, %arg0, %lt3A : i32
    %jit3A = arith.constant -1 : i32
    %select_n3A = arith.select %lt3A_44, %jit3A, %reduce_max3A_34 : i32
    %max3A = vector.broadcast %select_n3A : i32 to vector<1x1024xi32>
    %max3A_45 = arith.maxsi %get3A_15, %max3A : vector<1x1024xi32>
    %jit3A_46 = arith.constant 2048 : i32
    %select_n3A_47 = arith.select %lt3A_44, %reduce_min3A_43, %jit3A_46 : i32
    %min3A = vector.broadcast %select_n3A_47 : i32 to vector<1x1024xi32>
    %min3A_48 = arith.minsi %get3A_20, %min3A : vector<1x1024xi32>
    %iota3A = tpu.iota {dimensions = array<i32: 1>} : vector<1x1024xi32>
    %mul3A = arith.constant 1024 : i32
    %mul3A_49 = arith.muli %arg0, %mul3A : i32
    %add3A = vector.broadcast %mul3A_49 : i32 to vector<1x1024xi32>
    %add3A_50 = arith.addi %iota3A, %add3A : vector<1x1024xi32>
    %sub3A = arith.subi %min3A_48, %max3A_45 : vector<1x1024xi32>
    %convert_element_type3A_51 = arith.sitofp %sub3A : vector<1x1024xi32> to vector<1x1024xf32>
    %sub3A_52 = arith.subi %add3A_50, %max3A_45 : vector<1x1024xi32>
    %convert_element_type3A_53 = arith.sitofp %sub3A_52 : vector<1x1024xi32> to vector<1x1024xf32>
    %sub3A_54 = arith.constant 1.000000e+00 : f32
    %sub3A_55 = vector.broadcast %sub3A_54 : f32 to vector<1x1024xf32>
    %sub3A_56 = arith.subf %convert_element_type3A_51, %sub3A_55 : vector<1x1024xf32>
    %max3A_57 = arith.constant 1.000000e+00 : f32
    %max3A_58 = vector.broadcast %max3A_57 : f32 to vector<1x1024xf32>
    %max3A_59 = arith.maximumf %sub3A_56, %max3A_58 : vector<1x1024xf32>
    %div3A = arith.divf %convert_element_type3A_53, %max3A_59 : vector<1x1024xf32>
    %mul3A_60 = arith.constant 4.8828125E-4 : f32
    %mul3A_61 = vector.broadcast %mul3A_60 : f32 to vector<1x1024xf32>
    %mul3A_62 = arith.mulf %convert_element_type3A_51, %mul3A_61 : vector<1x1024xf32>
    %convert_element_type3A_63 = arith.sitofp %get3A_25 : vector<1x1024xi32> to vector<1x1024xf32>
    %mul3A_64 = arith.constant 3.05175781E-5 : f32
    %mul3A_65 = vector.broadcast %mul3A_64 : f32 to vector<1x1024xf32>
    %mul3A_66 = arith.mulf %convert_element_type3A_63, %mul3A_65 : vector<1x1024xf32>
    %concatenate3A = tpu.concatenate %div3A, %mul3A_62, %mul3A_66 in 0 : vector<1x1024xf32>, vector<1x1024xf32>, vector<1x1024xf32> -> vector<3x1024xf32>
    %get3A_67 = arith.constant 0 : index
    %get3A_68 = arith.constant 0 : index
    %get3A_69 = vector.load %arg17[%get3A_67, %get3A_68] : memref<3x1024xf32, #tpu.memory_space<vmem>>, vector<3x1024xf32>
    %dot_general3A = arith.constant dense<0.000000e+00> : vector<1024x1024xf32>
    %dot_general3A_70 = tpu.matmul %concatenate3A, %get3A_69, %dot_general3A {dimension_numbers = #tpu.dot_dimension_numbers<[0], [0], [1], [1], [0, 1, 1, 1], [], []>, transpose_lhs_hint = false} : vector<3x1024xf32>, vector<3x1024xf32>, vector<1024x1024xf32> -> vector<1024x1024xf32>
    %add3A_71 = arith.addf %get3A_10, %dot_general3A_70 : vector<1024x1024xf32>
    %get3A_72 = arith.constant 0 : index
    %get3A_73 = arith.constant 0 : index
    %get3A_74 = arith.constant 0 : index
    %get3A_75 = vector.load %arg9[%get3A_72, %get3A_73, %get3A_74] : memref<1x1x1024xi32, #tpu.memory_space<vmem>>, vector<1x1x1024xi32>
    %get3A_76 = vector.shape_cast %get3A_75 : vector<1x1x1024xi32> to vector<1x1024xi32>
    %convert_element_type3A_77 = arith.sitofp %get3A_76 : vector<1x1024xi32> to vector<1x1024xf32>
    %get3A_78 = arith.constant 0 : index
    %get3A_79 = arith.constant 0 : index
    %get3A_80 = vector.load %arg11[%get3A_78, %get3A_79] : memref<16x1024xf32, #tpu.memory_space<vmem>>, vector<16x1024xf32>
    %mul3A_81 = vector.broadcast %convert_element_type3A_77 : vector<1x1024xf32> to vector<16x1024xf32>
    %mul3A_82 = arith.mulf %get3A_80, %mul3A_81 : vector<16x1024xf32>
    %sin3A = math.sin %mul3A_82 : vector<16x1024xf32>
    %get3A_83 = arith.constant 0 : index
    %get3A_84 = arith.constant 0 : index
    %get3A_85 = vector.load %arg12[%get3A_83, %get3A_84] : memref<16x128xf32, #tpu.memory_space<vmem>>, vector<16x128xf32>
    %dot_general3A_86 = arith.constant dense<0.000000e+00> : vector<1024x128xf32>
    %dot_general3A_87 = tpu.matmul %sin3A, %get3A_85, %dot_general3A_86 {dimension_numbers = #tpu.dot_dimension_numbers<[0], [0], [1], [1], [0, 1, 1, 1], [], []>, transpose_lhs_hint = false} : vector<16x1024xf32>, vector<16x128xf32>, vector<1024x128xf32> -> vector<1024x128xf32>
    %slice3A = vector.extract_strided_slice %add3A_71 {offsets = [0, 0], sizes = [1024, 128], strides = [1, 1]} : vector<1024x1024xf32> to vector<1024x128xf32>
    %get3A_88 = arith.constant 0 : index
    %get3A_89 = arith.constant 0 : index
    %get3A_90 = arith.constant 0 : index
    %get3A_91 = vector.load %arg10[%get3A_88, %get3A_89, %get3A_90] : memref<1x1024x128xf32, #tpu.memory_space<vmem>>, vector<1x1024x128xf32>
    %get3A_92 = vector.shape_cast %get3A_91 : vector<1x1024x128xf32> to vector<1024x128xf32>
    %add3A_93 = arith.addf %slice3A, %get3A_92 : vector<1024x128xf32>
    %slice3A_94 = vector.extract_strided_slice %add3A_71 {offsets = [0, 128], sizes = [1024, 768], strides = [1, 1]} : vector<1024x1024xf32> to vector<1024x768xf32>
    %slice3A_95 = vector.extract_strided_slice %add3A_71 {offsets = [0, 896], sizes = [1024, 128], strides = [1, 1]} : vector<1024x1024xf32> to vector<1024x128xf32>
    %add3A_96 = arith.addf %slice3A_95, %dot_general3A_87 : vector<1024x128xf32>
    %concatenate3A_97 = tpu.concatenate %add3A_93, %slice3A_94, %add3A_96 in 1 : vector<1024x128xf32>, vector<1024x768xf32>, vector<1024x128xf32> -> vector<1024x1024xf32>
    %broadcast_in_dim3A = vector.shape_cast %concatenate3A_97 : vector<1024x1024xf32> to vector<1x1024x1024xf32>
    %swap3A = arith.constant 0 : index
    %swap3A_98 = arith.constant 0 : index
    %swap3A_99 = arith.constant 0 : index
    %swap3A_100 = vector.load %arg15[%swap3A, %swap3A_98, %swap3A_99] : memref<1x1024x1024xf32, #tpu.memory_space<vmem>>, vector<1x1024x1024xf32>
    tpu.vector_store %arg15[%swap3A, %swap3A_98, %swap3A_99], %broadcast_in_dim3A {strides = array<i32>} : memref<1x1024x1024xf32, #tpu.memory_space<vmem>>, vector<1x1024x1024xf32>,
    return
  }
  func.func @transform_0(%arg0: i32, %arg1: i32) -> (i32, i32) {
    %c0_i32 = arith.constant 0 : i32
    %c0_i32_0 = arith.constant 0 : i32
    return %arg0, %c0_i32 : i32, i32
  }
  func.func @transform_1(%arg0: i32, %arg1: i32) -> (i32, i32) {
    %c0_i32 = arith.constant 0 : i32
    %c0_i32_0 = arith.constant 0 : i32
    %c0_i32_1 = arith.constant 0 : i32
    return %c0_i32, %c0_i32_0 : i32, i32
  }
  func.func @transform_2(%arg0: i32, %arg1: i32) -> (i32, i32) {
    %c0_i32 = arith.constant 0 : i32
    %c0_i32_0 = arith.constant 0 : i32
    %c0_i32_1 = arith.constant 0 : i32
    return %c0_i32, %c0_i32_0 : i32, i32
  }
  func.func @transform_3(%arg0: i32, %arg1: i32) -> (i32, i32) {
    %c0_i32 = arith.constant 0 : i32
    %c0_i32_0 = arith.constant 0 : i32
    %c0_i32_1 = arith.constant 0 : i32
    return %c0_i32, %c0_i32_0 : i32, i32
  }
  func.func @transform_4(%arg0: i32, %arg1: i32) -> (i32, i32) {
    %c0_i32 = arith.constant 0 : i32
    %c0_i32_0 = arith.constant 0 : i32
    %c0_i32_1 = arith.constant 0 : i32
    return %c0_i32, %c0_i32_0 : i32, i32
  }
  func.func @transform_5(%arg0: i32, %arg1: i32) -> (i32, i32, i32) {
    %c0_i32 = arith.constant 0 : i32
    %c0_i32_0 = arith.constant 0 : i32
    return %arg1, %c0_i32, %arg0 : i32, i32, i32
  }
  func.func @transform_6(%arg0: i32, %arg1: i32) -> (i32, i32, i32) {
    %c0_i32 = arith.constant 0 : i32
    %c0_i32_0 = arith.constant 0 : i32
    return %arg1, %c0_i32, %arg0 : i32, i32, i32
  }
  func.func @transform_7(%arg0: i32, %arg1: i32) -> (i32, i32, i32) {
    %c0_i32 = arith.constant 0 : i32
    %c0_i32_0 = arith.constant 0 : i32
    return %arg1, %c0_i32, %arg0 : i32, i32, i32
  }
  func.func @transform_8(%arg0: i32, %arg1: i32) -> (i32, i32, i32) {
    %c0_i32 = arith.constant 0 : i32
    %c0_i32_0 = arith.constant 0 : i32
    return %arg1, %arg0, %c0_i32 : i32, i32, i32
  }
  func.func @transform_9(%arg0: i32, %arg1: i32) -> (i32, i32) {
    %c0_i32 = arith.constant 0 : i32
    %c0_i32_0 = arith.constant 0 : i32
    %c0_i32_1 = arith.constant 0 : i32
    return %c0_i32, %c0_i32_0 : i32, i32
  }
  func.func @transform_10(%arg0: i32, %arg1: i32) -> (i32, i32) {
    %c0_i32 = arith.constant 0 : i32
    %c0_i32_0 = arith.constant 0 : i32
    %c0_i32_1 = arith.constant 0 : i32
    return %c0_i32, %c0_i32_0 : i32, i32
  }
  func.func @transform_11(%arg0: i32, %arg1: i32) -> (i32, i32, i32) {
    %c0_i32 = arith.constant 0 : i32
    %c0_i32_0 = arith.constant 0 : i32
    %c0_i32_1 = arith.constant 0 : i32
    return %arg1, %c0_i32, %c0_i32_0 : i32, i32, i32
  }
  func.func @transform_12(%arg0: i32, %arg1: i32) -> (i32, i32, i32) {
    %c0_i32 = arith.constant 0 : i32
    %c0_i32_0 = arith.constant 0 : i32
    %c0_i32_1 = arith.constant 0 : i32
    return %arg1, %c0_i32, %c0_i32_0 : i32, i32, i32
  }
  func.func @transform_13(%arg0: i32, %arg1: i32) -> (i32, i32, i32) {
    %c0_i32 = arith.constant 0 : i32
    %c0_i32_0 = arith.constant 0 : i32
    return %arg1, %arg0, %c0_i32 : i32, i32, i32
  }
}

</mosaic_0001>

<sc_bundles>
// kernel: kernel.4.cloned.1.call-start
scs
__scs_entry_jumppad:
0x0: {  	(pc) =	sbr.rel $0x88, $3  }
0x1: {  	(tag) =	ssettag $0x0;
	lr =	simm.s32 $0x1  }
0x2: {  	[smem:$0x3F9B] =	sst lr;
	_ =	strace $0xD0000000  }
0x3: {  	_ = 	snop  }
0x4: {  	_ = 	snop  }
0x5: {  	_ = 	snop  }
0x6: {  	_ = 	snop  }
0x7: {  	_ = 	snop  }
__scs_overlays_trampoline_lowered:
0x8: {  	[smem:$0x3FAA] =	sst s0  }
0x9: {  	[smem:$0x3FAB] =	sst s1  }
0xa: {  	[smem:$0x3FAC] =	sst s2  }
0xb: {  	[smem:$0x3FAD] =	sst s3  }
0xc: {  	[smem:$0x3FAE] =	sst s4  }
0xd: {  	[smem:$0x3FAF] =	sst s5  }
0xe: {  	[smem:$0x3FB0] =	sst s6  }
0xf: {  	[smem:$0x3FB1] =	sst s7  }
0x10: {  	[smem:$0x3FB2] =	sst s8  }
0x11: {  	[smem:$0x3FB3] =	sst s9;
	s0 =	simm.s32 @!p0 $0x0  }
0x12: {  	s1 =	sld [smem:$0x3F99];
	s0 =	simm.s32 @p0 $0x1  }
0x13: {  	[smem:$0x3FB4] =	sst s0;
	s0 =	simm.s32 @!p1 $0x0  }
0x14: {  	s2 =	sld [smem:$0x3F98];
	s0 =	simm.s32 @p1 $0x1  }
0x15: {  	[smem:$0x3FB5] =	sst s0;
	s0 =	simm.s32 @!p2 $0x0  }
0x16: {  	s3 =	sld [smem:$0x3FDB];
	s0 =	simm.s32 @p2 $0x1  }
0x17: {  	s4 =	simm.s32 $0x1BF5;
	[smem:$0x3FB7] =	sst s0  }
0x18: {  	s0 =	sld [smem:$0x3F9A];
	_ =	swait.ge [sflag:s4], $0x0  }
0x19: {  	s7 =	sld [smem:$0x3F9B]  }
0x1a: {  	s8 =	sadd.s32 $0xFFFFE003, lr  }
0x1b: {  	s9 =	sadd.s32 $0xFFFFFEF7, lr;
	s5 =	simm.s32 $0xFFFFFFFF;
	p2 =	slt.u32 s8, $0xFFFFF086  }
0x1c: {  	p1 =	slt.u32 s9, $0xF7A;
	s5 =	simm.s32 @!p2 $0x0  }
0x1d: {  	s5 =	simm.s32 @p1 $0x1;
	p0 =	seq.s32 s7, s2  }
0x1e: {  	s7 =	smul.u32 @!p0 $0xF7A, s2;
	p2 =	seq.s32 @!p0 s5, $0x0  }
0x1f: {  	s9 =	smul.u32 $0xF7A, s1;
	s8 =	simm.s32 @!p0 $0x1BF5;
	p2 =	por !p2, p0  }
0x20: {  	[sflag:s8] =	ssyncset.s32 @!p0 $0xFFFFF086;
	s6 =	sadd.s32 @!p0 s3, s7;
	s7 =	simm.s32 @!p0 $0x108  }
0x21: {  	s3 =	sadd.s32 s3, s9;
	s6 =	sadd.s32 @!p0 $0x88, s6;
	s7 =	simm.s32 @p2 $0x1082  }
0x22: {  	[simem:s7], [sflag:s8] =	dma.local @!p0 [hbm:s6], $0xF7A  }
0x23: {  	s9 =	sor.u32 $0xD0000000, s2;
	s6 =	simm.s32 $0x108;
	_ =	swait.ge @!p0 [sflag:s8], $0x0  }
0x24: {  	s3 =	sadd.s32 $0x88, s3;
	s6 =	simm.s32 @!p1 $0x1082;
	[sflag:s4] =	ssyncset.s32 $0xFFFFF086  }
0x25: {  	[simem:s6], [sflag:s4] =	dma.local [hbm:s3], $0xF7A  }
0x26: {  	[smem:$0x3F9B] =	sst s1;
	(tag) =	ssettag s2;
	_ =	strace s9  }
0x27: {  	s1 =	sld [smem:$0x3FAB]  }
0x28: {  	s2 =	sld [smem:$0x3FAC]  }
0x29: {  	s4 =	sld [smem:$0x3FAE]  }
0x2a: {  	p0 =	seq.s32 s5, $0x0;
	s5 =	sld [smem:$0x3FAF]  }
0x2b: {  	s6 =	sld [smem:$0x3FB0]  }
0x2c: {  	s7 =	sld [smem:$0x3FB1]  }
0x2d: {  	s3 =	simm.s32 $0x108;
	s8 =	sld [smem:$0x3FB2]  }
0x2e: {  	s3 =	simm.s32 @!p0 $0x1082;
	s9 =	sld [smem:$0x3FB3]  }
0x2f: {  	lr =	sadd.s32 s0, s3;
	s0 =	sld [smem:$0x3FAA]  }
0x30: {  	s3 =	sld [smem:$0x3FAD]  }
0x31: {  	[smem:$0x3FB6] =	sst s10  }
0x32: {  	s10 =	sld [smem:$0x3FB4];
	_ =	sdelay $0x3  }
0x33: {  	p0 =	seq.s32 s10, $0x1;
	s10 =	sld [smem:$0x3FB6];
	_ =	sdelay $0x3  }
0x34: {  	[smem:$0x3FB6] =	sst s10  }
0x35: {  	s10 =	sld [smem:$0x3FB5];
	_ =	sdelay $0x3  }
0x36: {  	p1 =	seq.s32 s10, $0x1;
	s10 =	sld [smem:$0x3FB6];
	_ =	sdelay $0x3  }
0x37: {  	[smem:$0x3FB6] =	sst s10  }
0x38: {  	s10 =	sld [smem:$0x3FB7]  }
0x39: {  	_ = 	snop;
	(pc) =	sbr.ind lr, $3  }
0x3a: {  	_ = 	snop  }
0x3b: {  	_ = 	snop  }
0x3c: {  	p2 =	seq.s32 s10, $0x1;
	s10 =	sld [smem:$0x3FB6]  }
0x3d: {  	_ =	shalt  }
0x3e: {  	_ =	shalt  }
0x3f: {  	_ =	shalt  }
0x40: {  	_ =	shalt  }
0x41: {  	_ =	shalt  }
0x42: {  	_ =	shalt  }
0x43: {  	_ =	shalt  }
0x44: {  	_ =	shalt  }
0x45: {  	_ =	shalt  }
0x46: {  	_ =	shalt  }
0x47: {  	_ =	shalt  }
0x48: {  	_ =	shalt  }
0x49: {  	_ =	shalt  }
0x4a: {  	_ =	shalt  }
0x4b: {  	_ =	shalt  }
0x4c: {  	_ =	shalt  }
0x4d: {  	_ =	shalt  }
0x4e: {  	_ =	shalt  }
0x4f: {  	_ =	shalt  }
0x50: {  	_ =	shalt  }
0x51: {  	_ =	shalt  }
0x52: {  	_ =	shalt  }
0x53: {  	_ =	shalt  }
0x54: {  	_ =	shalt  }
0x55: {  	_ =	shalt  }
0x56: {  	_ =	shalt  }
0x57: {  	_ =	shalt  }
0x58: {  	_ =	shalt  }
0x59: {  	_ =	shalt  }
0x5a: {  	_ =	shalt  }
0x5b: {  	_ =	shalt  }
0x5c: {  	_ =	shalt  }
0x5d: {  	_ =	shalt  }
0x5e: {  	_ =	shalt  }
0x5f: {  	_ =	shalt  }
0x60: {  	_ =	shalt  }
0x61: {  	_ =	shalt  }
0x62: {  	_ =	shalt  }
0x63: {  	_ =	shalt  }
0x64: {  	_ =	shalt  }
0x65: {  	_ =	shalt  }
0x66: {  	_ =	shalt  }
0x67: {  	_ =	shalt  }
0x68: {  	_ =	shalt  }
0x69: {  	_ =	shalt  }
0x6a: {  	_ =	shalt  }
0x6b: {  	_ =	shalt  }
0x6c: {  	_ =	shalt  }
0x6d: {  	_ =	shalt  }
0x6e: {  	_ =	shalt  }
0x6f: {  	_ =	shalt  }
0x70: {  	_ =	shalt  }
0x71: {  	_ =	shalt  }
0x72: {  	_ =	shalt  }
0x73: {  	_ =	shalt  }
0x74: {  	_ =	shalt  }
0x75: {  	_ =	shalt  }
0x76: {  	_ =	shalt  }
0x77: {  	_ =	shalt  }
0x78: {  	_ =	shalt  }
0x79: {  	_ =	shalt  }
0x7a: {  	_ =	shalt  }
0x7b: {  	_ =	shalt  }
0x7c: {  	_ =	shalt  }
0x7d: {  	_ =	shalt  }
0x7e: {  	_ =	shalt  }
0x7f: {  	_ =	shalt  }
0x80: {  	_ =	shalt  }
0x81: {  	_ =	shalt  }
0x82: {  	_ =	shalt  }
0x83: {  	_ =	shalt  }
0x84: {  	_ =	shalt  }
0x85: {  	_ =	shalt  }
0x86: {  	_ =	shalt  }
0x87: {  	_ =	shalt  }
.Lfunc_end0:
.L_simem_size_0:
called_computation_lowered:
.L_overlay_start_0:
0x88: {  	s2 =	sld [smem:$0x3FD9]  }
0x89: {  	s3 =	sld [smem:$0x3FFE];
	_ =	sdelay $0x1  }
0x8a: {  	s1 =	srdreg.scid  }
0x8b: {  	s0 =	sand.u32 $0x1, s1  }
0x8c: {  	s17 =	sshll.u32 s0, $0xA;
	s2 =	sadd.s32 s3, s2  }
0x8d: {  	s2 =	sadd.s32 s2, s17  }
0x8e: {  	[smem:$0x3FC2] =	sst s2  }
0x8f: {  	_ = 	snop  }
0x90: {  	s2 =	sld [smem:$0x3FC9]  }
0x91: {  	s18 =	sld [smem:$0x3FC8]  }
0x92: {  	s4 =	sld [smem:$0x3FD0];
	(tm) =	ssettm $0x1  }
0x93: {  	s5 =	sld [smem:$0x3FFB];
	_ =	sdelay $0x3  }
0x94: {  	_ =	strace s5  }
0x95: {  	s5 =	sld [smem:$0x3FFC];
	_ =	sdelay $0x3  }
0x96: {  	_ =	strace s5  }
0x97: {  	s5 =	sld [smem:$0x3FFD];
	_ =	sdelay $0x3  }
0x98: {  	_ =	strace s5  }
0x99: {  	_ =	strace $0x8FFFFFFF  }
0x9a: {  	s19 =	sld [smem:$0x3FDB];
	_ =	sdelay $0x1  }
0x9b: {  	s6 =	simm.s32 $_scs_section_size  }
0x9c: {  	s7 =	simm.s32 $_size__tile_overlayer_lowered;
	s8 =	simm.s32 $_tile_overlayer_lowered  }
0x9d: {  	s22 =	simm.s32 $0x1BFF;
	s21 =	sshll.u32 s8, $0x1;
	s5 =	sadd.s32 s6, s19  }
0x9e: {  	s9 =	simm.s32 $0x0;
	s20 =	sshll.u32 s7, $0x1;
	s7 =	sadd.s32 s21, s5  }
0x9f: {  	[timem:s9], [sflag:s22] =	dma.local [hbm:s7], s20  }
0xa0: {  	_ =	swait.ge [sflag:s22], s20  }
0xa1: {  	s6 =	ssub.s32 $0x0, s20;
	[sflag:s22] =	ssyncset.done $0x0  }
0xa2: {  	[sflag:s22] =	ssyncadd.s32 s6;
	_ =	sdelay $0x1  }
0xa3: {  	s23 =	simm.s32 $0x1B8B  }
0xa4: {  	_ =	swait.ge [sflag:s23], $0x1  }
0xa5: {  	[sflag:s23] =	ssyncset.done $0x0  }
0xa6: {  	s25 =	simm.s32 $0x1B8E;
	s24 =	sld [smem:$0x3FFE];
	[sflag:s23] =	ssyncadd.s32 $0xFFFFFFFF  }
0xa7: {  	s26 =	simm.s32 $execute0_lowered;
	[smem:$0x3FD2] =	sst s25  }
0xa8: {  	s7 =	sshll.u32 s26, $0x1;
	_ =	strace $0x80000046;
	[dreg:$0x1] =	wrdreg $0xFFFFFFFF  }
0xa9: {  	s28 =	simm.s32 $_size_execute0_lowered;
	s5 =	sadd.s32 s5, s7;
	[dreg:$0x0] =	wrdreg $0x0  }
0xaa: {  	s7 =	sshll.u32 s28, $0x1;
	[dreg:$0x2] =	wrdreg s5  }
0xab: {  	[dreg:$0x3] =	wrdreg s7  }
0xac: {  	[dreg:$0x4] =	wrdreg $0xC0  }
0xad: {  	_ =	task [dreg:s9], $0x5FFFF  }
0xae: {  	[dreg:$0x1] =	wrdreg $0xFFFFFFFF  }
0xaf: {  	[dreg:$0x0] =	wrdreg $0x60  }
0xb0: {  	[dreg:$0x2] =	wrdreg s2  }
0xb1: {  	[dreg:$0x3] =	wrdreg s18  }
0xb2: {  	[dreg:$0x4] =	wrdreg s4  }
0xb3: {  	[dreg:$0x5] =	wrdreg s24  }
0xb4: {  	[dreg:$0x6] =	wrdreg $0x9  }
0xb5: {  	_ =	task.clear_ibuf [dreg:s9], $0x7FFFF;
	_ =	strace $0x90000046  }
0xb6: {  	s29 =	simm.s32 $0x9;
	_ =	strace $0x80000048  }
0xb7: {  	_ =	swait.ge [sflag:s29], $0x1  }
0xb8: {  	[sflag:s29] =	ssyncadd.s32 $0xFFFFFFFF  }
0xb9: {  	_ =	strace $0x90000048  }
0xba: {  	_ =	sfence  }
0xbb: {  	s30 =	sld [smem:$0x0];
	_ =	sdelay $0x2  }
0xbc: {  	s31 =	sshll.u32 s1, $0xD;
	s1 =	sshrl.u32 s1, $0x2  }
0xbd: {  	s3 =	sand.u32 $0x4000, s31;
	s1 =	sadd.s32 s1, s30  }
0xbe: {  	s0 =	sor.u32 s3, s0;
	s1 =	sshll.u32 s1, $0x11  }
0xbf: {  	s0 =	sor.u32 s1, s0  }
0xc0: {  	s0 =	sadd.s32 $0x8F2B, s0  }
0xc1: {  	[sflag:s0] =	ssyncadd.remote.s32 $0x1  }
0xc2: {  	_ =	sfence.sel $0xFFFF  }
0xc3: {  	[dreg:$0x0] =	wrdreg $0xFFFFFFFF;
	(pc) =	sbr.abs _section_cstart, $3  }
0xc4: {  	[dreg:$0x1] =	wrdreg $0xFFFFFFFF  }
0xc5: {  	_ =	task.clear_ibuf [dreg:s9], $0x2FFFF;
	_ =	strace $0x9FFFFFFF  }
0xc6: {  	(tm) =	ssettm $0x7FFFFFFF  }
0xc7: {  	_ =	shalt  }
tec
execute0_lowered:
.L_overlay_start_1:
0x0: {  	(tag) =	ssettag $0x1  }
0x1: {  	s0 =	rddreg [dreg:$0x0]  }
0x2: {  	s3 =	rddreg [dreg:$0x1]  }
0x3: {  	s1 =	rddreg [dreg:$0x2]  }
0x4: {  	s4 =	rddreg [dreg:$0x3];
	s2 =	simm.s32 $0x0  }
0x5: {  	s5 =	srdreg.scid;
	s21 =	stileid.u32;
	s28 =	simm.s32 $0xA00  }
0x6: {  	s29 =	simm.s32 $0x8B00;
	s30 =	simm.s32 $0xA80;
	s31 =	simm.s32 $0xCB00  }
0x7: {  	[smem:$0x7FF] =	sst s2;
	s5 =	sand.u32 $0x1, s5;
	s23 =	sadd.s32 $0x43E00, s4  }
0x8: {  	s24 =	sadd.s32 $0x44000, s4;
	s8 =	sshll.u32 s21, $0x1;
	s10 =	sshrl.u32 s21, $0x1  }
0x9: {  	s13 =	sand.u32 $0x7, s21;
	_ =	strace $0x80000047;
	[dreg:$0x5] =	wrdreg s23  }
0xa: {  	p0 =	sgt.u32 s21, $0x7;
	s6 =	sshll.u32 s5, $0x7;
	[dreg:$0x6] =	wrdreg s24  }
0xb: {  	s25 =	ssub.s32 $0x2, s5;
	s8 =	sand.u32 $0x2, s8;
	s12 =	sshll.u32 s10, $0x4  }
0xc: {  	s26 =	sshll.u32 s13, $0x4;
	p1 =	seq.s32 s5, $0x0;
	s7 =	sadd.s32 s6, s4  }
0xd: {  	s4 =	sadd.s32 $0x2E00, s4;
	s9 =	sshrl.u32 s25, $0x1;
	s8 =	sor.u32 s5, s8  }
0xe: {  	s6 =	sshll.u32 s5, $0xA;
	s3 =	sadd.s32 s3, s12;
	[dreg:$0x7] =	wrdreg s26  }
0xf: {  	s5 =	simm.s32 $0x1;
	s9 =	ssub.s32 s25, s9;
	s11 =	sshll.u32 s8, $0x9  }
0x10: {  	s0 =	sadd.s32 s0, s6;
	s8 =	sshll.u32 s8, $0x10;
	s14 =	sor.u32 $0x80, s11  }
0x11: {  	s12 =	sadd.s32 s11, s3;
	s16 =	sor.u32 $0x100, s11;
	s17 =	sor.u32 $0x180, s11  }
0x12: {  	s11 =	sadd.s32 s26, s0;
	s26 =	sor.u32 $0x3F1, s6;
	s15 =	sadd.s32 s14, s3  }
0x13: {  	s18 =	sadd.s32 s16, s3;
	s3 =	sadd.s32 s17, s3;
	s22 =	sshll.u32 s14, $0x7  }
0x14: {  	s23 =	sshll.u32 s16, $0x7;
	s24 =	sshll.u32 s17, $0x7;
	[dreg:$0xc] =	wrdreg s26  }
0x15: {  	s17 =	simm.s32 $0x900;
	s26 =	simm.s32 $0x4B00;
	[dreg:$0x8] =	wrdreg s18  }
0x16: {  	[dreg:$0x9] =	wrdreg s3;
	s3 =	sshll.u32 s13, $0x8;
	s13 =	sshll.u32 s10, $0x12  }
0x17: {  	s18 =	sshll.u32 s21, $0x8;
	s0 =	sadd.s32 s3, s7;
	s8 =	sor.u32 s13, s8  }
0x18: {  	s19 =	sadd.s32 s18, s7;
	s7 =	sor.u32 s13, s23;
	s3 =	sor.u32 s13, s24  }
0x19: {  	s23 =	simm.s32 $0x80;
	s18 =	simm.s32 $0xB00;
	s0 =	sadd.s32 $0x43600, s0  }
0x1a: {  	s20 =	sshrl.u32 s8, $0x3;
	s25 =	sshrl.u32 s7, $0x3;
	s3 =	sshrl.u32 s3, $0x3  }
.Ltmp0:
0x1b: {  	[dreg:$0xa] =	wrdreg s0;
	s0 =	sadd.s32 $0x42E00, s19;
	(pc) =	sbr.rel .LBB2_1-.Ltmp0, $4  }
0x1c: {  	v0 =	vlaneseq.u32;
	s10 =	sadd.s32 s4, s20;
	s24 =	sadd.s32 s4, s25;
	s16 =	sadd.s32 s4, s3  }
0x1d: {  	v3 =	vmul.u32 $0xFFFFFFFF, v0;
	s20 =	smax.u32 s9, $0x1;
	[dreg:$0xb] =	wrdreg s0;
	s0 =	sor.u32 s13, s22  }
0x1e: {  	v4 =	vimm.s32 $0x80000800;
	vm0 =	vcmask $0x300;
	v2 =	vimm.s32 $0x0;
	s25 =	simm.s32 $0x980;
	s19 =	simm.s32 $0x400;
	s0 =	sshrl.u32 s0, $0x3  }
0x1f: {  	v1 =	vor.u32 $0x80000000, v0;
	v4 =	vsel vm0, $0x80000400, v4;
	v3 =	vadd.s32 $0xF, v3;
	s22 =	simm.s32 $0x2;
	s13 =	sadd.s32 s4, s0;
	s4 =	simm.s32 $0x0  }
.LBB2_9:
0x20: {  	v5 =	vmov s0;
	s14 =	rddreg [dreg:$0x7]  }
0x21: {  	s21 =	simm.s32 $0x880;
	s0 =	sadd.s32 s3, s14;
	[tilespmem:$0x880] =	vst v5  }
0x22: {  	[hbm4b:s0+s2] =	stream.linear.scatter [tilespmem:s21], [sflag:$0x2], $0x80, $0x38;
	[tilespmem:$0x10B00] =	vst v63  }
0x23: {  	_ =	swait.ge [sflag:s22], $0x80  }
0x24: {  	[sflag:s22] =	ssyncset.done $0x0  }
0x25: {  	[sflag:s22] =	ssyncadd.s32 $0xFFFFFF80  }
.LBB2_10:
0x26: {  	_ =	swait.ge [sflag:s5], $0x4000  }
0x27: {  	[sflag:s5] =	ssyncset.done $0x0  }
0x28: {  	[sflag:s5] =	ssyncadd.s32 $0xFFFFC000  }
0x29: {  	[hbm4b:s10+s2] =	stream.linear.scatter [tilespmem:s18], [sflag:$0x2], $0x4000, $0x38;
	[tilespmem:$0x10B00] =	vst v63  }
0x2a: {  	_ =	swait.ge [sflag:s22], $0x4000  }
0x2b: {  	[sflag:s22] =	ssyncset.done $0x0  }
0x2c: {  	[sflag:s22] =	ssyncadd.s32 $0xFFFFC000  }
0x2d: {  	_ =	swait.ge [sflag:s5], $0x4000  }
0x2e: {  	[sflag:s5] =	ssyncset.done $0x0  }
0x2f: {  	[sflag:s5] =	ssyncadd.s32 $0xFFFFC000  }
0x30: {  	[hbm4b:s13+s2] =	stream.linear.scatter [tilespmem:s26], [sflag:$0x2], $0x4000, $0x38;
	[tilespmem:$0x10B00] =	vst v63  }
0x31: {  	_ =	swait.ge [sflag:s22], $0x4000  }
0x32: {  	[sflag:s22] =	ssyncset.done $0x0  }
0x33: {  	[sflag:s22] =	ssyncadd.s32 $0xFFFFC000  }
0x34: {  	_ =	swait.ge [sflag:s5], $0x4000  }
0x35: {  	[sflag:s5] =	ssyncset.done $0x0  }
0x36: {  	[sflag:s5] =	ssyncadd.s32 $0xFFFFC000  }
0x37: {  	[hbm4b:s24+s2] =	stream.linear.scatter [tilespmem:s29], [sflag:$0x2], $0x4000, $0x38;
	[tilespmem:$0x10B00] =	vst v63  }
0x38: {  	_ =	swait.ge [sflag:s22], $0x4000  }
0x39: {  	[sflag:s22] =	ssyncset.done $0x0  }
0x3a: {  	[sflag:s22] =	ssyncadd.s32 $0xFFFFC000  }
0x3b: {  	s4 =	sadd.s32 $0x1, s4;
	_ =	swait.ge [sflag:s5], $0x4000  }
0x3c: {  	p2 =	sne.s32 s4, s20;
	[sflag:s5] =	ssyncset.done $0x0  }
.Ltmp1:
0x3d: {  	[sflag:s5] =	ssyncadd.s32 $0xFFFFC000;
	(pc) =	sbr.rel @!p2 .LBB2_11-.Ltmp1, $4  }
0x3e: {  	[hbm4b:s16+s2] =	stream.linear.scatter [tilespmem:s31], [sflag:$0x2], $0x4000, $0x38;
	[tilespmem:$0x10B00] =	vst v63  }
0x3f: {  	_ =	swait.ge [sflag:s22], $0x4000  }
0x40: {  	[sflag:s22] =	ssyncset.done $0x0  }
0x41: {  	[sflag:s22] =	ssyncadd.s32 $0xFFFFC000  }
.LBB2_1:
0x42: {  	[tilespmem:s17], [sflag:$0x2] =	stream.linear.gather [hbm4b:s12+s2], $0x80, $0x38;
	[tilespmem:$0x10B00] =	vst v63  }
0x43: {  	_ =	swait.ge [sflag:s22], $0x80  }
0x44: {  	[sflag:s22] =	ssyncset.done $0x0  }
0x45: {  	[sflag:s22] =	ssyncadd.s32 $0xFFFFFF80  }
0x46: {  	[tilespmem:s18], [sflag:$0x1] =	stream.indirect.gather [hbm4b:s1+s23], $0x80, s17, s23, $0xb8;
	[tilespmem:$0x10B00] =	vst v63  }
0x47: {  	_ = 	snop  }
0x48: {  	[tilespmem:s25], [sflag:$0x2] =	stream.linear.gather [hbm4b:s15+s2], $0x80, $0x38;
	[tilespmem:$0x10B00] =	vst v63  }
0x49: {  	_ =	swait.ge [sflag:s22], $0x80  }
0x4a: {  	[sflag:s22] =	ssyncset.done $0x0  }
0x4b: {  	[sflag:s22] =	ssyncadd.s32 $0xFFFFFF80  }
0x4c: {  	[tilespmem:s26], [sflag:$0x1] =	stream.indirect.gather [hbm4b:s1+s23], $0x80, s25, s23, $0xb8;
	[tilespmem:$0x10B00] =	vst v63  }
0x4d: {  	s0 =	rddreg [dreg:$0x8]  }
0x4e: {  	[tilespmem:s28], [sflag:$0x2] =	stream.linear.gather [hbm4b:s0+s2], $0x80, $0x38;
	[tilespmem:$0x10B00] =	vst v63  }
0x4f: {  	_ =	swait.ge [sflag:s22], $0x80  }
0x50: {  	[sflag:s22] =	ssyncset.done $0x0  }
0x51: {  	[sflag:s22] =	ssyncadd.s32 $0xFFFFFF80  }
0x52: {  	[tilespmem:s29], [sflag:$0x1] =	stream.indirect.gather [hbm4b:s1+s23], $0x80, s28, s23, $0xb8;
	[tilespmem:$0x10B00] =	vst v63  }
0x53: {  	s21 =	rddreg [dreg:$0x9]  }
0x54: {  	[tilespmem:s30], [sflag:$0x2] =	stream.linear.gather [hbm4b:s21+s2], $0x80, $0x38;
	[tilespmem:$0x10B00] =	vst v63  }
0x55: {  	_ =	swait.ge [sflag:s22], $0x80  }
0x56: {  	[sflag:s22] =	ssyncset.done $0x0  }
0x57: {  	[sflag:s22] =	ssyncadd.s32 $0xFFFFFF80  }
0x58: {  	[tilespmem:s31], [sflag:$0x1] =	stream.indirect.gather [hbm4b:s1+s23], $0x80, s30, s23, $0xb8;
	[tilespmem:$0x10B00] =	vst v63  }
.Ltmp2:
0x59: {  	_ = 	snop;
	(pc) =	sbr.rel @p0 .LBB2_5-.Ltmp2, $4  }
0x5a: {  	[tilespmem:s2], [sflag:$0x2] =	stream.strided.gather [hbm4b:s11+s23], $0x400, s19, s23, $0x38;
	[tilespmem:$0x10B00] =	vst v63  }
0x5b: {  	_ =	swait.ge [sflag:s22], $0x400  }
0x5c: {  	[sflag:s22] =	ssyncset.done $0x0  }
0x5d: {  	s0 =	simm.s32 $0xFFFFFFFF;
	[sflag:s22] =	ssyncadd.s32 $0xFFFFFC00  }
0x5e: {  	s3 =	sshra.s32 s2, $0x2  }
0x5f: {  	v5 =	vld [tilespmem:s3+$0x0];
	_ =	sdelay $0x3  }
0x60: {  	v6 =	vmov s6  }
0x61: {  	vm1 =	veq.s32 v6, v0;
	vm0 =	vne.s32 v5, $0x0  }
0x62: {  	v5 =	vor.u32 s6, v1;
	vm0 =	vmor vm1, vm0  }
0x63: {  	v5 =	vnsel vm0, $0x7FFFFFFF, v5  }
0x64: {  	(xrf0) =	vmax.scan.msk.u32 $0xffff, v5;
	_ =	sdelay $0x5  }
0x65: {  	v5, _, _ =	vpop (xrf0)  }
0x66: {  	v5 =	vxor.u32 $0x80000000, v5  }
0x67: {  	vm15 =	vgt.s32 v5, s0  }
0x68: {  	v5 =	vnsel vm15, s0, v5  }
0x69: {  	v6 =	vxor.u32 $0x80000000, v5  }
0x6a: {  	(xrf0) =	vmax.scan.msk.u32 $0xffff, v6;
	_ =	sdelay $0x5  }
0x6b: {  	s7 =	sadd.s32 $0x40, s2;
	v6, _, _ =	vpop (xrf0)  }
0x6c: {  	s0 =	sshra.s32 s7, $0x2;
	s7 =	sadd.s32 $0x40, s7;
	[tilespmem:s3+$0x480] =	vst v5;
	s3 =	smov.u32 s6;
	(v2sf) =	vpush v6, $0xF  }
.LBB2_3:
0x6d: {  	p2 =	sne.s32 s7, $0xFC0;
	v5 =	vld [tilespmem:s0+$0x0];
	_ =	sdelay $0x2  }
0x6e: {  	s3 =	sadd.s32 $0x10, s3  }
0x6f: {  	v6 =	vmov s3  }
0x70: {  	vm1 =	veq.s32 v6, v0;
	vm0 =	vne.s32 v5, $0x0  }
0x71: {  	v5 =	vor.u32 s3, v1;
	vm0 =	vmor vm1, vm0  }
0x72: {  	v5 =	vnsel vm0, $0x7FFFFFFF, v5  }
0x73: {  	(xrf0) =	vmax.scan.msk.u32 $0xffff, v5;
	_ =	sdelay $0x5  }
0x74: {  	v5, _, _ =	vpop (xrf0);
	s8 =	spop (v2sf)  }
0x75: {  	v5 =	vxor.u32 $0x80000000, v5;
	s8 =	sxor.u32 $0x80000000, s8  }
0x76: {  	vm0 =	vgt.s32 v5, s8  }
0x77: {  	v5 =	vnsel vm0, s8, v5  }
0x78: {  	[tilespmem:s0+$0x480] =	vst v5;
	v5 =	vxor.u32 $0x80000000, v5  }
0x79: {  	(xrf0) =	vmax.scan.msk.u32 $0xffff, v5;
	_ =	sdelay $0x2  }
.Ltmp3:
0x7a: {  	(pc) =	sbr.rel @p2 .LBB2_3-.Ltmp3, $3  }
0x7b: {  	_ =	sdelay $0x1  }
0x7c: {  	v5, _, _ =	vpop (xrf0)  }
0x7d: {  	s0 =	sshra.s32 s7, $0x2;
	s7 =	sadd.s32 $0x40, s7;
	(v2sf) =	vpush v5, $0xF  }
0x7e: {  	v5 =	vld [tilespmem:s0+$0x0];
	_ =	sdelay $0x2  }
0x7f: {  	s3 =	sadd.s32 $0x10, s3  }
0x80: {  	v6 =	vmov s3  }
0x81: {  	vm1 =	veq.s32 v6, v0;
	vm0 =	vne.s32 v5, $0x0  }
0x82: {  	v5 =	vor.u32 s3, v1;
	vm0 =	vmor vm1, vm0  }
0x83: {  	v5 =	vnsel vm0, $0x7FFFFFFF, v5  }
0x84: {  	(xrf0) =	vmax.scan.msk.u32 $0xffff, v5;
	_ =	sdelay $0x5  }
0x85: {  	v5, _, _ =	vpop (xrf0);
	s9 =	spop (v2sf)  }
0x86: {  	v5 =	vxor.u32 $0x80000000, v5;
	s3 =	sxor.u32 $0x80000000, s9  }
0x87: {  	vm15 =	vgt.s32 v5, s3  }
0x88: {  	v5 =	vnsel vm15, s3, v5  }
0x89: {  	v6 =	vxor.u32 $0x80000000, v5  }
0x8a: {  	(xrf0) =	vmax.scan.msk.u32 $0xffff, v6;
	_ =	sdelay $0x5  }
0x8b: {  	v6, _, _ =	vpop (xrf0)  }
0x8c: {  	(v2sf) =	vpush v6, $0xF;
	_ =	sdelay $0xb  }
0x8d: {  	s21 =	rddreg [dreg:$0xb];
	s7 =	simm.s32 $0x480;
	[tilespmem:s0+$0x480] =	vst v5  }
0x8e: {  	[hbm4b:s21+s2] =	stream.linear.scatter [tilespmem:s7], [sflag:$0x2], $0x400, $0x38;
	[tilespmem:$0x10B00] =	vst v63  }
.Ltmp4:
0x8f: {  	_ = 	snop;
	(pc) =	sbr.rel @p1 .LBB2_9-.Ltmp4, $4  }
.Ltmp5:
0x90: {  	s14 =	spop (v2sf);
	(pc) =	sbr.rel @!p1 .LBB2_10-.Ltmp5, $4  }
0x91: {  	_ =	swait.ge [sflag:s22], $0x400  }
0x92: {  	[sflag:s22] =	ssyncset.done $0x0  }
0x93: {  	s0 =	sxor.u32 $0x80000000, s14;
	s3 =	rddreg [dreg:$0x5];
	[sflag:s22] =	ssyncadd.s32 $0xFFFFFC00  }
0x94: {  	_ = 	snop  }
.LBB2_5:
0x95: {  	[tilespmem:$0x400] =	vst v2;
	s14 =	simm.s32 $0x0  }
0x96: {  	v5 =	vld [tilespmem:s14+$0x3F1];
	_ =	sdelay $0x1  }
0x97: {  	s18 =	smov.u32 s13;
	s13 =	simm.s32 $0xFFFFFFF0  }
0x98: {  	v6 =	vld [tilespmem:s13+$0x3F1]  }
0x99: {  	s0 =	rddreg [dreg:$0xc]  }
0x9a: {  	s9 =	simm.s32 $0xFFFFFFE0;
	v7 =	vadd.s32 s0, v0;
	vm0 =	veq.s32 v5, $0x0  }
0x9b: {  	v5 =	vld [tilespmem:s9+$0x3F1];
	v7 =	vsel vm0, $0x800, v7  }
0x9c: {  	s0 =	sadd.s32 $0xFFFFFFF0, s0;
	v8 =	vperm.xlane v7, v3  }
0x9d: {  	v9 =	vadd.s32 s0, v0;
	vm0 =	veq.s32 v6, $0x0;
	v6 =	vor.u32 $0x80000000, v7  }
0x9e: {  	v7 =	vsel vm0, $0x800, v9;
	(xrf0) =	vmin.scan.msk.u32 $0xffff, v6;
	v6 =	vsub.s32 $0x80000000, v8  }
0x9f: {  	s3 =	sadd.s32 $0xFFFFFFF0, s0;
	s0 =	simm.s32 $0xFFFFFFD0;
	v8 =	vperm.xlane v7, v3;
	(xrf0) =	vmax.scan.msk.u32 $0xffff, v6;
	v6 =	vor.u32 $0x80000000, v7  }
0xa0: {  	v7 =	vadd.s32 s3, v0;
	vm0 =	veq.s32 v5, $0x0;
	(xrf0) =	vmin.scan.msk.u32 $0xffff, v6;
	v6 =	vld [tilespmem:s0+$0x3F1]  }
0xa1: {  	v5 =	vsub.s32 $0x80000000, v8;
	v7 =	vsel vm0, $0x800, v7  }
0xa2: {  	(xrf0) =	vmax.scan.msk.u32 $0xffff, v5;
	v5 =	vperm.xlane v7, v3  }
0xa3: {  	s19 =	smov.u32 s16;
	v7 =	vor.u32 $0x80000000, v7  }
0xa4: {  	s16 =	smov.u32 s15;
	s15 =	smov.u32 s12;
	s12 =	sadd.s32 $0xFFFFFFF0, s3;
	(xrf0) =	vmin.scan.msk.u32 $0xffff, v7;
	v5 =	vsub.s32 $0x80000000, v5  }
0xa5: {  	v8 =	vadd.s32 s12, v0;
	vm0 =	veq.s32 v6, $0x0  }
0xa6: {  	v7, _, _ =	vpop (xrf0);
	v8 =	vsel vm0, $0x800, v8  }
0xa7: {  	(xrf0) =	vmax.scan.msk.u32 $0xffff, v5;
	(v2sf) =	vpush v7, $0xF;
	v5, _, _ =	vpop (xrf0);
	v9 =	vperm.xlane v8, v3;
	v8 =	vor.u32 $0x80000000, v8  }
0xa8: {  	v6, _, _ =	vpop (xrf0)  }
0xa9: {  	v7, _, _ =	vpop (xrf0)  }
0xaa: {  	(v2sf) =	vpush v6, $0xF;
	(xrf0) =	vmin.scan.msk.u32 $0xffff, v8;
	v8, _, _ =	vpop (xrf0)  }
0xab: {  	(v2sf) =	vpush v8, $0xF;
	_ =	sdelay $0x3  }
0xac: {  	s7 =	simm.s32 $0xFFFFFFC0;
	v7 =	vxor.u32 $0x7FFFFFFF, v7  }
0xad: {  	v5 =	vxor.u32 $0x7FFFFFFF, v5;
	v6 =	vadd.s32 $0x1, v7;
	v7 =	vld [tilespmem:s7+$0x3F1]  }
0xae: {  	v5 =	vadd.s32 $0x1, v5  }
0xaf: {  	v5 =	vperm.xlane v5, v3  }
0xb0: {  	s17 =	smov.u32 s10;
	s3 =	simm.s32 $0x800;
	v9 =	vsub.s32 $0x80000000, v9  }
0xb1: {  	s21 =	smov.u32 s11;
	s8 =	simm.s32 $0xFFFFFEC0;
	s10 =	sadd.s32 $0xFFFFFFF0, s12;
	(xrf0) =	vmax.scan.msk.u32 $0xffff, v9;
	v6 =	vperm.xlane v6, v3;
	v8, _, _ =	vpop (xrf0);
	vm0 =	vlt.s32 v5, s3  }
.LBB2_6:
0xb2: {  	s11 =	sshra.s32 s8, $0x2;
	p2 =	sne.s32 s8, $0xFFFFF040;
	s8 =	sadd.s32 $0xFFFFFFC0, s8;
	v9 =	vadd.s32 s10, v0;
	vm1 =	veq.s32 v7, $0x0;
	v8 =	vxor.u32 $0x7FFFFFFF, v8  }
.Ltmp6:
0xb3: {  	v10 =	vnsel vm0, s3, v5;
	v5 =	vmovc v6;
	v7 =	vld [tilespmem:s11+$0x3F1];
	v9 =	vsel vm1, $0x800, v9;
	v12 =	vadd.s32 $0x1, v8;
	s12 =	spop (v2sf);
	(pc) =	sbr.rel @p2 .LBB2_6-.Ltmp6, $4  }
0xb4: {  	v11 =	vperm.xlane v9, v3;
	v9 =	vor.u32 $0x80000000, v9;
	v6 =	vperm.xlane v12, v3;
	[tilespmem:s14+$0x870] =	vst v10;
	s12 =	sxor.u32 $0x80000000, s12;
	s14 =	smov.u32 s13;
	s13 =	smov.u32 s9  }
0xb5: {  	s9 =	smov.u32 s0;
	s0 =	smov.u32 s7;
	(xrf0) =	vmin.scan.msk.u32 $0xffff, v9;
	v8, _, _ =	vpop (xrf0);
	p3 =	slt.s32 s12, s3  }
0xb6: {  	s7 =	smov.u32 s11;
	v9 =	vsub.s32 $0x80000000, v11;
	(v2sf) =	vpush v8, $0xF;
	s3 =	smov.u32 @p3 s12  }
0xb7: {  	s10 =	sadd.s32 $0xFFFFFFF0, s10;
	(xrf0) =	vmax.scan.msk.u32 $0xffff, v9;
	v8, _, _ =	vpop (xrf0);
	vm0 =	vlt.s32 v5, s3  }
0xb8: {  	_ =	sdelay $0x1  }
0xb9: {  	v9 =	vadd.s32 s10, v0;
	vm1 =	veq.s32 v7, $0x0  }
0xba: {  	v7 =	vsel vm1, $0x800, v9;
	v60, _, _ =	vpop (xrf0)  }
0xbb: {  	v9 =	vor.u32 $0x80000000, v7;
	(v2sf) =	vpush v60, $0xF  }
0xbc: {  	(xrf0) =	vmin.scan.msk.u32 $0xffff, v9;
	_ =	sdelay $0x3  }
0xbd: {  	v7 =	vperm.xlane v7, v3  }
0xbe: {  	v61, _, _ =	vpop (xrf0)  }
0xbf: {  	v7 =	vsub.s32 $0x80000000, v7;
	v10, _, _ =	vpop (xrf0)  }
0xc0: {  	(xrf0) =	vmax.scan.msk.u32 $0xffff, v7;
	(v2sf) =	vpush v10, $0xF  }
0xc1: {  	s8 =	spop (v2sf)  }
0xc2: {  	s8 =	sxor.u32 $0x80000000, s8  }
0xc3: {  	s12 =	spop (v2sf);
	p2 =	slt.s32 s8, s3;
	v7 =	vxor.u32 $0x7FFFFFFF, v8  }
0xc4: {  	v5 =	vnsel vm0, s3, v5;
	s3 =	smov.u32 @p2 s8;
	s8 =	sxor.u32 $0x80000000, s12;
	v7 =	vadd.s32 $0x1, v7  }
0xc5: {  	vm12 =	vlt.s32 v6, s3;
	p2 =	slt.s32 s8, s3;
	v62 =	vxor.u32 $0x7FFFFFFF, v61;
	v7 =	vperm.xlane v7, v3;
	s10 =	spop (v2sf)  }
0xc6: {  	v6 =	vnsel vm12, s3, v6;
	s3 =	smov.u32 @p2 s8;
	v8 =	vadd.s32 $0x1, v62;
	s8 =	sxor.u32 $0x80000000, s10;
	v63, _, _ =	vpop (xrf0)  }
0xc7: {  	v8 =	vperm.xlane v8, v3;
	vm13 =	vlt.s32 v7, s3;
	p2 =	slt.s32 s8, s3;
	v9 =	vxor.u32 $0x7FFFFFFF, v63;
	s11 =	spop (v2sf)  }
0xc8: {  	v7 =	vnsel vm13, s3, v7;
	s3 =	smov.u32 @p2 s8;
	v9 =	vadd.s32 $0x1, v9;
	s8 =	sxor.u32 $0x80000000, s11  }
0xc9: {  	[tilespmem:s14+$0x870] =	vst v5;
	vm14 =	vlt.s32 v8, s3;
	v5 =	vperm.xlane v9, v3;
	p2 =	slt.s32 s8, s3  }
0xca: {  	[tilespmem:s13+$0x870] =	vst v6;
	v8 =	vnsel vm14, s3, v8;
	s3 =	smov.u32 @p2 s8  }
0xcb: {  	[tilespmem:s9+$0x870] =	vst v7;
	vm15 =	vlt.s32 v5, s3  }
0xcc: {  	s14 =	simm.s32 $0x480;
	[tilespmem:s0+$0x870] =	vst v8;
	v5 =	vnsel vm15, s3, v5  }
0xcd: {  	s13 =	rddreg [dreg:$0xa];
	s10 =	smov.u32 s17;
	s17 =	simm.s32 $0x900;
	[tilespmem:s7+$0x870] =	vst v5  }
0xce: {  	[hbm4b:s13+s2] =	stream.linear.scatter [tilespmem:s14], [sflag:$0x2], $0x400, $0x38;
	[tilespmem:$0x10B00] =	vst v63  }
.Ltmp7:
0xcf: {  	s11 =	smov.u32 s21;
	s12 =	spop (v2sf);
	(pc) =	sbr.rel @p1 .LBB2_10-.Ltmp7, $4  }
0xd0: {  	s0 =	sxor.u32 $0x80000000, s12;
	s12 =	smov.u32 s15;
	s15 =	smov.u32 s16  }
0xd1: {  	s13 =	smov.u32 s18;
	s16 =	smov.u32 s19;
	_ =	swait.ge [sflag:s22], $0x400  }
0xd2: {  	s18 =	simm.s32 $0xB00;
	p2 =	slt.s32 s0, s3;
	[sflag:s22] =	ssyncset.done $0x0  }
0xd3: {  	s19 =	simm.s32 $0x400;
	s3 =	smov.u32 @p2 s0;
	[sflag:s22] =	ssyncadd.s32 $0xFFFFFC00  }
0xd4: {  	v5 =	vld [tilespmem:$0x0];
	_ =	sdelay $0x4  }
0xd5: {  	vm0 =	veq.s32 v5, $0x0  }
0xd6: {  	v5 =	vsel vm0, $0x80000800, v4  }
0xd7: {  	(xrf0) =	vmin.scan.msk.u32 $0xffff, v5;
	_ =	sdelay $0x5  }
0xd8: {  	v5, _, _ =	vpop (xrf0)  }
0xd9: {  	(v2sf) =	vpush v5, $0xF;
	_ =	sdelay $0xd  }
.Ltmp8:
0xda: {  	_ = 	snop;
	(pc) =	sbr.rel .LBB2_9-.Ltmp8, $4  }
0xdb: {  	s0 =	spop (v2sf)  }
0xdc: {  	s0 =	sxor.u32 $0x80000000, s0  }
0xdd: {  	p2 =	slt.s32 s3, s0  }
0xde: {  	s0 =	smov.u32 @p2 s3;
	s3 =	rddreg [dreg:$0x6]  }
.LBB2_11:
0xdf: {  	_ =	sfence.sel $0x180000  }
0xe0: {  	[bflag:$0x0] =	sbarrier.arrive $0xFFFF  }
0xe1: {  	_ =	strace $0x90000047  }
0xe2: {  	s0 =	stileid.u32;
	[bflag:$0x2] =	sbarrier.arrive $0xFFFF  }
0xe3: {  	p0 =	sne.s32 s0, $0x0;
	s0 =	rddreg [dreg:$0x4]  }
0xe4: {  	s0 =	sadd.s32 @!p0 $0x100000, s0  }
0xe5: {  	[sflag:s0] =	ssyncadd.tile.s32 @!p0 $0x1;
	_ =	shalt  }
.Lfunc_end2:
_tile_overlayer_lowered:
.L_overlay_start_2:
0xe6: {  	(tag) =	ssettag $0x2  }
0xe7: {  	s0 =	rddreg [dreg:$0x0];
	s2 =	stileid.u32  }
0xe8: {  	s1 =	rddreg [dreg:$0x1];
	p0 =	sne.s32 s2, $0x0  }
0xe9: {  	s3 =	rddreg [dreg:$0x2];
	[bflag:$0x3] =	sbarrier.arrive $0xFFFF;
	s2 =	simm.s32 @!p0 $0x1C02  }
0xea: {  	[timem:s3], [sflag:s2] =	dma.local @!p0 [hbm:s0], s1  }
0xeb: {  	s0 =	simm.s32 @!p0 $0x2  }
0xec: {  	_ =	swait.ge @!p0 [sflag:s0], s1  }
0xed: {  	s1 =	ssub.s32 @!p0 $0x0, s1;
	[sflag:s0] =	ssyncset.done @!p0 $0x0  }
0xee: {  	[sflag:s0] =	ssyncadd.s32 @!p0 s1  }
0xef: {  	[bflag:$0x3] =	sbarrier.arrive $0xFFFF  }
0xf0: {  	_ =	shalt  }

</sc_bundles>
